<compile_context>
chip_gen: v7x
topology: tpu7x:2x2x1
jax: 0.10.2.dev20260603
libtpu: 0.0.44.dev20260713+nightly
codegen_flags: <defaults>
</compile_context>

<pallas_src>
import functools

import jax
import jax.numpy as jnp
from jax import lax
from jax.experimental import pallas as pl
from jax.experimental.pallas import tpu as pltpu
from jax.experimental.pallas import tpu_sc as plsc

B = 16384
D = 64
_INFO = plsc.get_sparse_core_info()
NC, NS, L = _INFO.num_cores, _INFO.num_subcores, _INFO.num_lanes
NW = NC * NS
CHUNK = B // NW
IDXW = 128
NSUB = CHUNK // IDXW

_sc_mesh = plsc.VectorSubcoreMesh(core_axis_name="c", subcore_axis_name="s")


@functools.partial(
    pl.kernel,
    mesh=_sc_mesh,
    out_type=jax.ShapeDtypeStruct((B, D), jnp.float32),
    scratch_types=[
        pltpu.VMEM((4 * CHUNK,), jnp.int32),
        pltpu.VMEM((CHUNK, D), jnp.float32),
        pltpu.VMEM((CHUNK, D), jnp.float32),
        pltpu.VMEM((CHUNK, D), jnp.float32),
        pltpu.SemaphoreType.DMA,
        pltpu.SemaphoreType.DMA,
        pltpu.SemaphoreType.DMA,
    ],
    compiler_params=pltpu.CompilerParams(use_tc_tiling_on_sc=False),
)
def _sc_gather_sum(s_idx, i_idx, a_idx, m_idx,
                   s_tab, i_tab, a_tab, m_tab,
                   out, idx_v, acc_v, rows_a, rows_b,
                   sem_i, sem_a, sem_b):
    wid = lax.axis_index("s") * NC + lax.axis_index("c")
    base = wid * CHUNK

    idx_in = (s_idx, i_idx, a_idx, m_idx)
    icps = [pltpu.async_copy(idx_in[f].at[pl.ds(base, CHUNK)],
                             idx_v.at[pl.ds(f * CHUNK, CHUNK)], sem_i)
            for f in range(4)]
    for cp in icps:
        cp.wait()

    tabs = (s_tab, i_tab, a_tab, m_tab)

    def fire(f, buf, sem):
        return [pltpu.async_copy(
                    tabs[f].at[idx_v.at[pl.ds(f * CHUNK + j * IDXW, IDXW)]],
                    buf.at[pl.ds(j * IDXW, IDXW)], sem)
                for j in range(NSUB)]

    def accum(buf):
        def body(g, carry):
            r0 = g * 4
            for dr in range(4):
                for c in range(D // L):
                    sl = pl.ds(c * L, L)
                    plsc.addupdate(acc_v.at[r0 + dr, sl], buf[r0 + dr, sl])
            return carry
        lax.fori_loop(0, CHUNK // 4, body, 0)

    p0 = fire(0, acc_v, sem_a)
    p1 = fire(1, rows_a, sem_b)
    for cp in p0:
        cp.wait()
    p2 = fire(2, rows_b, sem_a)
    for cp in p1:
        cp.wait()
    accum(rows_a)
    p3 = fire(3, rows_a, sem_b)
    for cp in p2:
        cp.wait()
    accum(rows_b)
    for cp in p3:
        cp.wait()
    accum(rows_a)

    pltpu.sync_copy(acc_v, out.at[pl.ds(wid * CHUNK, CHUNK)])


def _tc_project(idx_ref, comb_ref, w_ref, t0_ref, out_ref):
    mf = (idx_ref[...] == 0).astype(jnp.float32)
    t0w = jnp.dot(t0_ref[...], w_ref[...],
                  preferred_element_type=jnp.float32)
    main = jnp.dot(comb_ref[...], w_ref[...],
                   preferred_element_type=jnp.float32)
    corr = lax.dot_general(mf, t0w, (((0,), (0,)), ((), ())),
                           preferred_element_type=jnp.float32)
    out_ref[...] = main - corr


def kernel(species_idx, item_idx, ability_idx, move_idx,
           species_table, items_table, abilities_table, moves_table, W):
    idx = [a.astype(jnp.int32)
           for a in (species_idx, item_idx, ability_idx, move_idx)]
    tabs = (species_table, items_table, abilities_table, moves_table)

    combined = _sc_gather_sum(*idx, *tabs)

    idx8 = jnp.concatenate(
        [jnp.stack(idx), jnp.ones((4, B), jnp.int32)], axis=0)
    t08 = jnp.concatenate(
        [jnp.stack([t[0] for t in tabs]),
         jnp.zeros((4, D), jnp.float32)], axis=0)

    TB = 4096
    out = pl.pallas_call(
        _tc_project,
        grid=(B // TB,),
        in_specs=[
            pl.BlockSpec((8, TB), lambda i: (0, i)),
            pl.BlockSpec((TB, D), lambda i: (i, 0)),
            pl.BlockSpec((D, D), lambda i: (0, 0)),
            pl.BlockSpec((8, D), lambda i: (0, 0)),
        ],
        out_specs=pl.BlockSpec((TB, D), lambda i: (i, 0)),
        out_shape=jax.ShapeDtypeStruct((B, D), jnp.float32),
    )(idx8, combined, W, t08)
    return out

# --- scband reference (transcript-rebuilt; emitter-appended) ---
"""Pipeline reference for scband-encoder-53343493816523 (READ-ONLY COPY).

The authoritative reference and input builder live on the scoring server;
editing this copy changes nothing except your own understanding.
"""

import jax, jax.numpy as jnp
import numpy as np

BATCH = 16384
VOCAB = 100000
D = 64


def setup_inputs(seed: int = 0) -> dict:
    key = jax.random.key(seed)
    ks = jax.random.split(key, 9)
    return {
        "species_idx": jax.random.randint(ks[0], (BATCH,), 0, VOCAB),
        "item_idx": jax.random.randint(ks[1], (BATCH,), 0, VOCAB),
        "ability_idx": jax.random.randint(ks[2], (BATCH,), 0, VOCAB),
        "move_idx": jax.random.randint(ks[3], (BATCH,), 0, VOCAB),
        "species_table": jax.random.normal(ks[4], (VOCAB, D), dtype=jnp.float32) * 0.02,
        "items_table": jax.random.normal(ks[5], (VOCAB, D), dtype=jnp.float32) * 0.02,
        "abilities_table": jax.random.normal(ks[6], (VOCAB, D), dtype=jnp.float32) * 0.02,
        "moves_table": jax.random.normal(ks[7], (VOCAB, D), dtype=jnp.float32) * 0.02,
        "W": jax.random.normal(ks[8], (D, D), dtype=jnp.float32) * 0.02,
    }


def reference(species_idx, item_idx, ability_idx, move_idx,
              species_table, items_table, abilities_table, moves_table, W):
    # Faithful core of Encoder: per-token embedding lookups, with the
    # UNSPECIFIED (token == 0) positions zeroed out (jnp.where in original),
    # summed (SumEmbeddings) and linearly projected (entity_combine / *_linear).
    def enc(tok, table):
        tok = tok.astype(jnp.int32)
        e = jnp.take(table, tok, axis=0)
        return jnp.where((tok == 0)[:, None], 0.0, e)

    combined = (enc(species_idx, species_table)
                + enc(item_idx, items_table)
                + enc(ability_idx, abilities_table)
                + enc(move_idx, moves_table))
    return combined @ W

if __name__ == "__main__":
    import jax
    _d = setup_inputs()
    print(jax.jit(kernel)(*tuple(_d.values())))

</pallas_src>

<mosaic_0001>
#map = affine_map<(d0, d1) -> (0)>
#map1 = affine_map<(d0, d1) -> (0, 0)>
module attributes {stable_mosaic.version = 14 : i64} {
  func.func @_sc_gather_sum(%arg0: i32, %arg1: i32, %arg2: memref<16384xi32, #tpu.memory_space<hbm>>, %arg3: memref<16384xi32, #tpu.memory_space<hbm>>, %arg4: memref<16384xi32, #tpu.memory_space<hbm>>, %arg5: memref<16384xi32, #tpu.memory_space<hbm>>, %arg6: memref<100000x64xf32, #tpu.memory_space<hbm>>, %arg7: memref<100000x64xf32, #tpu.memory_space<hbm>>, %arg8: memref<100000x64xf32, #tpu.memory_space<hbm>>, %arg9: memref<100000x64xf32, #tpu.memory_space<hbm>>, %arg10: memref<16384x64xf32, #tpu.memory_space<hbm>>, %arg11: memref<2048xi32, #tpu.memory_space<vmem>>, %arg12: memref<512x64xf32, #tpu.memory_space<vmem>>, %arg13: memref<512x64xf32, #tpu.memory_space<vmem>>, %arg14: memref<512x64xf32, #tpu.memory_space<vmem>>, %arg15: memref<!tpu.dma_semaphore, #tpu.memory_space<semaphore_mem>>, %arg16: memref<!tpu.dma_semaphore, #tpu.memory_space<semaphore_mem>>, %arg17: memref<!tpu.dma_semaphore, #tpu.memory_space<semaphore_mem>>) attributes {dimension_semantics = [#tpu.dimension_semantics<core_parallel>, #tpu.dimension_semantics<subcore_parallel>], iteration_bounds = array<i64: 2, 16>, scalar_prefetch = 0 : i64, scratch_operands = 7 : i64, tpu.core_type = #tpu.core_type<sc_vector_subcore>, window_params = [{transform_indices = #map}, {transform_indices = #map}, {transform_indices = #map}, {transform_indices = #map}, {transform_indices = #map1}, {transform_indices = #map1}, {transform_indices = #map1}, {transform_indices = #map1}, {transform_indices = #map1}]} {
    %mul3A = arith.constant 2 : i32
    %mul3A_0 = arith.muli %arg1, %mul3A : i32
    %add3A = arith.addi %mul3A_0, %arg0 : i32
    %mul3A_1 = arith.constant 512 : i32
    %mul3A_2 = arith.muli %add3A, %mul3A_1 : i32
    %dma_start3A = arith.constant 0 : i32
    %dma_start3A_3 = tpu.memref_slice %arg11[%dma_start3A] : memref<2048xi32, #tpu.memory_space<vmem>> -> memref<512xi32, #tpu.memory_space<vmem>>
    %dma_start3A_4 = tpu.memref_slice %arg2[%mul3A_2] : memref<16384xi32, #tpu.memory_space<hbm>> -> memref<512xi32, #tpu.memory_space<hbm>>
    %dma_start3A_5 = arith.constant 0 : i32
    %dma_start3A_6 = tpu.memref_slice %arg11[%dma_start3A_5] : memref<2048xi32, #tpu.memory_space<vmem>> -> memref<512xi32, #tpu.memory_space<vmem>>
    %dma_start3A_7 = tpu.memref_slice %arg2[%mul3A_2] : memref<16384xi32, #tpu.memory_space<hbm>> -> memref<512xi32, #tpu.memory_space<hbm>>
    tpu.enqueue_dma source(%dma_start3A_7 : memref<512xi32, #tpu.memory_space<hbm>>) target(%dma_start3A_6 : memref<512xi32, #tpu.memory_space<vmem>>) target_semaphore(%arg15 : memref<!tpu.dma_semaphore, #tpu.memory_space<semaphore_mem>>)
    %dma_start3A_8 = arith.constant 512 : i32
    %dma_start3A_9 = tpu.memref_slice %arg11[%dma_start3A_8] : memref<2048xi32, #tpu.memory_space<vmem>> -> memref<512xi32, #tpu.memory_space<vmem>>
    %dma_start3A_10 = tpu.memref_slice %arg3[%mul3A_2] : memref<16384xi32, #tpu.memory_space<hbm>> -> memref<512xi32, #tpu.memory_space<hbm>>
    %dma_start3A_11 = arith.constant 512 : i32
    %dma_start3A_12 = tpu.memref_slice %arg11[%dma_start3A_11] : memref<2048xi32, #tpu.memory_space<vmem>> -> memref<512xi32, #tpu.memory_space<vmem>>
    %dma_start3A_13 = tpu.memref_slice %arg3[%mul3A_2] : memref<16384xi32, #tpu.memory_space<hbm>> -> memref<512xi32, #tpu.memory_space<hbm>>
    tpu.enqueue_dma source(%dma_start3A_13 : memref<512xi32, #tpu.memory_space<hbm>>) target(%dma_start3A_12 : memref<512xi32, #tpu.memory_space<vmem>>) target_semaphore(%arg15 : memref<!tpu.dma_semaphore, #tpu.memory_space<semaphore_mem>>)
    %dma_start3A_14 = arith.constant 1024 : i32
    %dma_start3A_15 = tpu.memref_slice %arg11[%dma_start3A_14] : memref<2048xi32, #tpu.memory_space<vmem>> -> memref<512xi32, #tpu.memory_space<vmem>>
    %dma_start3A_16 = tpu.memref_slice %arg4[%mul3A_2] : memref<16384xi32, #tpu.memory_space<hbm>> -> memref<512xi32, #tpu.memory_space<hbm>>
    %dma_start3A_17 = arith.constant 1024 : i32
    %dma_start3A_18 = tpu.memref_slice %arg11[%dma_start3A_17] : memref<2048xi32, #tpu.memory_space<vmem>> -> memref<512xi32, #tpu.memory_space<vmem>>
    %dma_start3A_19 = tpu.memref_slice %arg4[%mul3A_2] : memref<16384xi32, #tpu.memory_space<hbm>> -> memref<512xi32, #tpu.memory_space<hbm>>
    tpu.enqueue_dma source(%dma_start3A_19 : memref<512xi32, #tpu.memory_space<hbm>>) target(%dma_start3A_18 : memref<512xi32, #tpu.memory_space<vmem>>) target_semaphore(%arg15 : memref<!tpu.dma_semaphore, #tpu.memory_space<semaphore_mem>>)
    %dma_start3A_20 = arith.constant 1536 : i32
    %dma_start3A_21 = tpu.memref_slice %arg11[%dma_start3A_20] : memref<2048xi32, #tpu.memory_space<vmem>> -> memref<512xi32, #tpu.memory_space<vmem>>
    %dma_start3A_22 = tpu.memref_slice %arg5[%mul3A_2] : memref<16384xi32, #tpu.memory_space<hbm>> -> memref<512xi32, #tpu.memory_space<hbm>>
    %dma_start3A_23 = arith.constant 1536 : i32
    %dma_start3A_24 = tpu.memref_slice %arg11[%dma_start3A_23] : memref<2048xi32, #tpu.memory_space<vmem>> -> memref<512xi32, #tpu.memory_space<vmem>>
    %dma_start3A_25 = tpu.memref_slice %arg5[%mul3A_2] : memref<16384xi32, #tpu.memory_space<hbm>> -> memref<512xi32, #tpu.memory_space<hbm>>
    tpu.enqueue_dma source(%dma_start3A_25 : memref<512xi32, #tpu.memory_space<hbm>>) target(%dma_start3A_24 : memref<512xi32, #tpu.memory_space<vmem>>) target_semaphore(%arg15 : memref<!tpu.dma_semaphore, #tpu.memory_space<semaphore_mem>>)
    %dma_wait3A = arith.constant 0 : i32
    %dma_wait3A_26 = tpu.memref_slice %arg11[%dma_wait3A] : memref<2048xi32, #tpu.memory_space<vmem>> -> memref<512xi32, #tpu.memory_space<vmem>>
    %dma_wait3A_27 = tpu.memref_slice %arg2[%mul3A_2] : memref<16384xi32, #tpu.memory_space<hbm>> -> memref<512xi32, #tpu.memory_space<hbm>>
    %dma_wait3A_28 = arith.constant 0 : i32
    %dma_wait3A_29 = tpu.memref_slice %arg11[%dma_wait3A_28] : memref<2048xi32, #tpu.memory_space<vmem>> -> memref<512xi32, #tpu.memory_space<vmem>>
    %dma_wait3A_30 = tpu.memref_slice %arg2[%mul3A_2] : memref<16384xi32, #tpu.memory_space<hbm>> -> memref<512xi32, #tpu.memory_space<hbm>>
    tpu.wait_dma2 semaphore(%arg15 : memref<!tpu.dma_semaphore, #tpu.memory_space<semaphore_mem>>) src(%dma_wait3A_30 : memref<512xi32, #tpu.memory_space<hbm>>) dst(%dma_wait3A_29 : memref<512xi32, #tpu.memory_space<vmem>>)
    %dma_wait3A_31 = arith.constant 512 : i32
    %dma_wait3A_32 = tpu.memref_slice %arg11[%dma_wait3A_31] : memref<2048xi32, #tpu.memory_space<vmem>> -> memref<512xi32, #tpu.memory_space<vmem>>
    %dma_wait3A_33 = tpu.memref_slice %arg3[%mul3A_2] : memref<16384xi32, #tpu.memory_space<hbm>> -> memref<512xi32, #tpu.memory_space<hbm>>
    %dma_wait3A_34 = arith.constant 512 : i32
    %dma_wait3A_35 = tpu.memref_slice %arg11[%dma_wait3A_34] : memref<2048xi32, #tpu.memory_space<vmem>> -> memref<512xi32, #tpu.memory_space<vmem>>
    %dma_wait3A_36 = tpu.memref_slice %arg3[%mul3A_2] : memref<16384xi32, #tpu.memory_space<hbm>> -> memref<512xi32, #tpu.memory_space<hbm>>
    tpu.wait_dma2 semaphore(%arg15 : memref<!tpu.dma_semaphore, #tpu.memory_space<semaphore_mem>>) src(%dma_wait3A_36 : memref<512xi32, #tpu.memory_space<hbm>>) dst(%dma_wait3A_35 : memref<512xi32, #tpu.memory_space<vmem>>)
    %dma_wait3A_37 = arith.constant 1024 : i32
    %dma_wait3A_38 = tpu.memref_slice %arg11[%dma_wait3A_37] : memref<2048xi32, #tpu.memory_space<vmem>> -> memref<512xi32, #tpu.memory_space<vmem>>
    %dma_wait3A_39 = tpu.memref_slice %arg4[%mul3A_2] : memref<16384xi32, #tpu.memory_space<hbm>> -> memref<512xi32, #tpu.memory_space<hbm>>
    %dma_wait3A_40 = arith.constant 1024 : i32
    %dma_wait3A_41 = tpu.memref_slice %arg11[%dma_wait3A_40] : memref<2048xi32, #tpu.memory_space<vmem>> -> memref<512xi32, #tpu.memory_space<vmem>>
    %dma_wait3A_42 = tpu.memref_slice %arg4[%mul3A_2] : memref<16384xi32, #tpu.memory_space<hbm>> -> memref<512xi32, #tpu.memory_space<hbm>>
    tpu.wait_dma2 semaphore(%arg15 : memref<!tpu.dma_semaphore, #tpu.memory_space<semaphore_mem>>) src(%dma_wait3A_42 : memref<512xi32, #tpu.memory_space<hbm>>) dst(%dma_wait3A_41 : memref<512xi32, #tpu.memory_space<vmem>>)
    %dma_wait3A_43 = arith.constant 1536 : i32
    %dma_wait3A_44 = tpu.memref_slice %arg11[%dma_wait3A_43] : memref<2048xi32, #tpu.memory_space<vmem>> -> memref<512xi32, #tpu.memory_space<vmem>>
    %dma_wait3A_45 = tpu.memref_slice %arg5[%mul3A_2] : memref<16384xi32, #tpu.memory_space<hbm>> -> memref<512xi32, #tpu.memory_space<hbm>>
    %dma_wait3A_46 = arith.constant 1536 : i32
    %dma_wait3A_47 = tpu.memref_slice %arg11[%dma_wait3A_46] : memref<2048xi32, #tpu.memory_space<vmem>> -> memref<512xi32, #tpu.memory_space<vmem>>
    %dma_wait3A_48 = tpu.memref_slice %arg5[%mul3A_2] : memref<16384xi32, #tpu.memory_space<hbm>> -> memref<512xi32, #tpu.memory_space<hbm>>
    tpu.wait_dma2 semaphore(%arg15 : memref<!tpu.dma_semaphore, #tpu.memory_space<semaphore_mem>>) src(%dma_wait3A_48 : memref<512xi32, #tpu.memory_space<hbm>>) dst(%dma_wait3A_47 : memref<512xi32, #tpu.memory_space<vmem>>)
    %dma_start3A_49 = arith.constant 0 : i32
    %dma_start3A_50 = arith.constant 0 : i32
    %dma_start3A_51 = tpu.memref_slice %arg12[%dma_start3A_49, %dma_start3A_50] : memref<512x64xf32, #tpu.memory_space<vmem>> -> memref<128x64xf32, #tpu.memory_space<vmem>>
    %dma_start3A_52 = arith.constant 0 : i32
    %dma_start3A_53 = tpu.memref_slice %arg11[%dma_start3A_52] : memref<2048xi32, #tpu.memory_space<vmem>> -> memref<128xi32, #tpu.memory_space<vmem>>
    %dma_start3A_54 = arith.constant 0 : i32
    %dma_start3A_55 = arith.constant 0 : i32
    %dma_start3A_56 = tpu.memref_slice %arg6[%dma_start3A_54, %dma_start3A_55] : memref<100000x64xf32, #tpu.memory_space<hbm>> -> memref<100000x64xf32, #tpu.memory_space<hbm>>
    tpu.enqueue_indirect_dma source(%dma_start3A_56 : memref<100000x64xf32, #tpu.memory_space<hbm>>) target(%dma_start3A_51 : memref<128x64xf32, #tpu.memory_space<vmem>>) offsets(%dma_start3A_53 : memref<128xi32, #tpu.memory_space<vmem>>) semaphore(%arg16 : memref<!tpu.dma_semaphore, #tpu.memory_space<semaphore_mem>>)
    %dma_start3A_57 = arith.constant 128 : i32
    %dma_start3A_58 = arith.constant 0 : i32
    %dma_start3A_59 = tpu.memref_slice %arg12[%dma_start3A_57, %dma_start3A_58] : memref<512x64xf32, #tpu.memory_space<vmem>> -> memref<128x64xf32, #tpu.memory_space<vmem>>
    %dma_start3A_60 = arith.constant 128 : i32
    %dma_start3A_61 = tpu.memref_slice %arg11[%dma_start3A_60] : memref<2048xi32, #tpu.memory_space<vmem>> -> memref<128xi32, #tpu.memory_space<vmem>>
    %dma_start3A_62 = arith.constant 0 : i32
    %dma_start3A_63 = arith.constant 0 : i32
    %dma_start3A_64 = tpu.memref_slice %arg6[%dma_start3A_62, %dma_start3A_63] : memref<100000x64xf32, #tpu.memory_space<hbm>> -> memref<100000x64xf32, #tpu.memory_space<hbm>>
    tpu.enqueue_indirect_dma source(%dma_start3A_64 : memref<100000x64xf32, #tpu.memory_space<hbm>>) target(%dma_start3A_59 : memref<128x64xf32, #tpu.memory_space<vmem>>) offsets(%dma_start3A_61 : memref<128xi32, #tpu.memory_space<vmem>>) semaphore(%arg16 : memref<!tpu.dma_semaphore, #tpu.memory_space<semaphore_mem>>)
    %dma_start3A_65 = arith.constant 256 : i32
    %dma_start3A_66 = arith.constant 0 : i32
    %dma_start3A_67 = tpu.memref_slice %arg12[%dma_start3A_65, %dma_start3A_66] : memref<512x64xf32, #tpu.memory_space<vmem>> -> memref<128x64xf32, #tpu.memory_space<vmem>>
    %dma_start3A_68 = arith.constant 256 : i32
    %dma_start3A_69 = tpu.memref_slice %arg11[%dma_start3A_68] : memref<2048xi32, #tpu.memory_space<vmem>> -> memref<128xi32, #tpu.memory_space<vmem>>
    %dma_start3A_70 = arith.constant 0 : i32
    %dma_start3A_71 = arith.constant 0 : i32
    %dma_start3A_72 = tpu.memref_slice %arg6[%dma_start3A_70, %dma_start3A_71] : memref<100000x64xf32, #tpu.memory_space<hbm>> -> memref<100000x64xf32, #tpu.memory_space<hbm>>
    tpu.enqueue_indirect_dma source(%dma_start3A_72 : memref<100000x64xf32, #tpu.memory_space<hbm>>) target(%dma_start3A_67 : memref<128x64xf32, #tpu.memory_space<vmem>>) offsets(%dma_start3A_69 : memref<128xi32, #tpu.memory_space<vmem>>) semaphore(%arg16 : memref<!tpu.dma_semaphore, #tpu.memory_space<semaphore_mem>>)
    %dma_start3A_73 = arith.constant 384 : i32
    %dma_start3A_74 = arith.constant 0 : i32
    %dma_start3A_75 = tpu.memref_slice %arg12[%dma_start3A_73, %dma_start3A_74] : memref<512x64xf32, #tpu.memory_space<vmem>> -> memref<128x64xf32, #tpu.memory_space<vmem>>
    %dma_start3A_76 = arith.constant 384 : i32
    %dma_start3A_77 = tpu.memref_slice %arg11[%dma_start3A_76] : memref<2048xi32, #tpu.memory_space<vmem>> -> memref<128xi32, #tpu.memory_space<vmem>>
    %dma_start3A_78 = arith.constant 0 : i32
    %dma_start3A_79 = arith.constant 0 : i32
    %dma_start3A_80 = tpu.memref_slice %arg6[%dma_start3A_78, %dma_start3A_79] : memref<100000x64xf32, #tpu.memory_space<hbm>> -> memref<100000x64xf32, #tpu.memory_space<hbm>>
    tpu.enqueue_indirect_dma source(%dma_start3A_80 : memref<100000x64xf32, #tpu.memory_space<hbm>>) target(%dma_start3A_75 : memref<128x64xf32, #tpu.memory_space<vmem>>) offsets(%dma_start3A_77 : memref<128xi32, #tpu.memory_space<vmem>>) semaphore(%arg16 : memref<!tpu.dma_semaphore, #tpu.memory_space<semaphore_mem>>)
    %dma_start3A_81 = arith.constant 0 : i32
    %dma_start3A_82 = arith.constant 0 : i32
    %dma_start3A_83 = tpu.memref_slice %arg13[%dma_start3A_81, %dma_start3A_82] : memref<512x64xf32, #tpu.memory_space<vmem>> -> memref<128x64xf32, #tpu.memory_space<vmem>>
    %dma_start3A_84 = arith.constant 512 : i32
    %dma_start3A_85 = tpu.memref_slice %arg11[%dma_start3A_84] : memref<2048xi32, #tpu.memory_space<vmem>> -> memref<128xi32, #tpu.memory_space<vmem>>
    %dma_start3A_86 = arith.constant 0 : i32
    %dma_start3A_87 = arith.constant 0 : i32
    %dma_start3A_88 = tpu.memref_slice %arg7[%dma_start3A_86, %dma_start3A_87] : memref<100000x64xf32, #tpu.memory_space<hbm>> -> memref<100000x64xf32, #tpu.memory_space<hbm>>
    tpu.enqueue_indirect_dma source(%dma_start3A_88 : memref<100000x64xf32, #tpu.memory_space<hbm>>) target(%dma_start3A_83 : memref<128x64xf32, #tpu.memory_space<vmem>>) offsets(%dma_start3A_85 : memref<128xi32, #tpu.memory_space<vmem>>) semaphore(%arg17 : memref<!tpu.dma_semaphore, #tpu.memory_space<semaphore_mem>>)
    %dma_start3A_89 = arith.constant 128 : i32
    %dma_start3A_90 = arith.constant 0 : i32
    %dma_start3A_91 = tpu.memref_slice %arg13[%dma_start3A_89, %dma_start3A_90] : memref<512x64xf32, #tpu.memory_space<vmem>> -> memref<128x64xf32, #tpu.memory_space<vmem>>
    %dma_start3A_92 = arith.constant 640 : i32
    %dma_start3A_93 = tpu.memref_slice %arg11[%dma_start3A_92] : memref<2048xi32, #tpu.memory_space<vmem>> -> memref<128xi32, #tpu.memory_space<vmem>>
    %dma_start3A_94 = arith.constant 0 : i32
    %dma_start3A_95 = arith.constant 0 : i32
    %dma_start3A_96 = tpu.memref_slice %arg7[%dma_start3A_94, %dma_start3A_95] : memref<100000x64xf32, #tpu.memory_space<hbm>> -> memref<100000x64xf32, #tpu.memory_space<hbm>>
    tpu.enqueue_indirect_dma source(%dma_start3A_96 : memref<100000x64xf32, #tpu.memory_space<hbm>>) target(%dma_start3A_91 : memref<128x64xf32, #tpu.memory_space<vmem>>) offsets(%dma_start3A_93 : memref<128xi32, #tpu.memory_space<vmem>>) semaphore(%arg17 : memref<!tpu.dma_semaphore, #tpu.memory_space<semaphore_mem>>)
    %dma_start3A_97 = arith.constant 256 : i32
    %dma_start3A_98 = arith.constant 0 : i32
    %dma_start3A_99 = tpu.memref_slice %arg13[%dma_start3A_97, %dma_start3A_98] : memref<512x64xf32, #tpu.memory_space<vmem>> -> memref<128x64xf32, #tpu.memory_space<vmem>>
    %dma_start3A_100 = arith.constant 768 : i32
    %dma_start3A_101 = tpu.memref_slice %arg11[%dma_start3A_100] : memref<2048xi32, #tpu.memory_space<vmem>> -> memref<128xi32, #tpu.memory_space<vmem>>
    %dma_start3A_102 = arith.constant 0 : i32
    %dma_start3A_103 = arith.constant 0 : i32
    %dma_start3A_104 = tpu.memref_slice %arg7[%dma_start3A_102, %dma_start3A_103] : memref<100000x64xf32, #tpu.memory_space<hbm>> -> memref<100000x64xf32, #tpu.memory_space<hbm>>
    tpu.enqueue_indirect_dma source(%dma_start3A_104 : memref<100000x64xf32, #tpu.memory_space<hbm>>) target(%dma_start3A_99 : memref<128x64xf32, #tpu.memory_space<vmem>>) offsets(%dma_start3A_101 : memref<128xi32, #tpu.memory_space<vmem>>) semaphore(%arg17 : memref<!tpu.dma_semaphore, #tpu.memory_space<semaphore_mem>>)
    %dma_start3A_105 = arith.constant 384 : i32
    %dma_start3A_106 = arith.constant 0 : i32
    %dma_start3A_107 = tpu.memref_slice %arg13[%dma_start3A_105, %dma_start3A_106] : memref<512x64xf32, #tpu.memory_space<vmem>> -> memref<128x64xf32, #tpu.memory_space<vmem>>
    %dma_start3A_108 = arith.constant 896 : i32
    %dma_start3A_109 = tpu.memref_slice %arg11[%dma_start3A_108] : memref<2048xi32, #tpu.memory_space<vmem>> -> memref<128xi32, #tpu.memory_space<vmem>>
    %dma_start3A_110 = arith.constant 0 : i32
    %dma_start3A_111 = arith.constant 0 : i32
    %dma_start3A_112 = tpu.memref_slice %arg7[%dma_start3A_110, %dma_start3A_111] : memref<100000x64xf32, #tpu.memory_space<hbm>> -> memref<100000x64xf32, #tpu.memory_space<hbm>>
    tpu.enqueue_indirect_dma source(%dma_start3A_112 : memref<100000x64xf32, #tpu.memory_space<hbm>>) target(%dma_start3A_107 : memref<128x64xf32, #tpu.memory_space<vmem>>) offsets(%dma_start3A_109 : memref<128xi32, #tpu.memory_space<vmem>>) semaphore(%arg17 : memref<!tpu.dma_semaphore, #tpu.memory_space<semaphore_mem>>)
    %dma_wait3A_113 = arith.constant 0 : i32
    %dma_wait3A_114 = arith.constant 0 : i32
    %dma_wait3A_115 = tpu.memref_slice %arg12[%dma_wait3A_113, %dma_wait3A_114] : memref<512x64xf32, #tpu.memory_space<vmem>> -> memref<128x64xf32, #tpu.memory_space<vmem>>
    %dma_wait3A_116 = arith.constant 0 : i32
    %dma_wait3A_117 = tpu.memref_slice %arg11[%dma_wait3A_116] : memref<2048xi32, #tpu.memory_space<vmem>> -> memref<128xi32, #tpu.memory_space<vmem>>
    %dma_wait3A_118 = arith.constant 0 : i32
    %dma_wait3A_119 = arith.constant 0 : i32
    %dma_wait3A_120 = tpu.memref_slice %arg6[%dma_wait3A_118, %dma_wait3A_119] : memref<100000x64xf32, #tpu.memory_space<hbm>> -> memref<100000x64xf32, #tpu.memory_space<hbm>>
    tpu.wait_indirect_dma semaphore(%arg16 : memref<!tpu.dma_semaphore, #tpu.memory_space<semaphore_mem>>) src(%dma_wait3A_120 : memref<100000x64xf32, #tpu.memory_space<hbm>>) dst(%dma_wait3A_115 : memref<128x64xf32, #tpu.memory_space<vmem>>)
    %dma_wait3A_121 = arith.constant 128 : i32
    %dma_wait3A_122 = arith.constant 0 : i32
    %dma_wait3A_123 = tpu.memref_slice %arg12[%dma_wait3A_121, %dma_wait3A_122] : memref<512x64xf32, #tpu.memory_space<vmem>> -> memref<128x64xf32, #tpu.memory_space<vmem>>
    %dma_wait3A_124 = arith.constant 128 : i32
    %dma_wait3A_125 = tpu.memref_slice %arg11[%dma_wait3A_124] : memref<2048xi32, #tpu.memory_space<vmem>> -> memref<128xi32, #tpu.memory_space<vmem>>
    %dma_wait3A_126 = arith.constant 0 : i32
    %dma_wait3A_127 = arith.constant 0 : i32
    %dma_wait3A_128 = tpu.memref_slice %arg6[%dma_wait3A_126, %dma_wait3A_127] : memref<100000x64xf32, #tpu.memory_space<hbm>> -> memref<100000x64xf32, #tpu.memory_space<hbm>>
    tpu.wait_indirect_dma semaphore(%arg16 : memref<!tpu.dma_semaphore, #tpu.memory_space<semaphore_mem>>) src(%dma_wait3A_128 : memref<100000x64xf32, #tpu.memory_space<hbm>>) dst(%dma_wait3A_123 : memref<128x64xf32, #tpu.memory_space<vmem>>)
    %dma_wait3A_129 = arith.constant 256 : i32
    %dma_wait3A_130 = arith.constant 0 : i32
    %dma_wait3A_131 = tpu.memref_slice %arg12[%dma_wait3A_129, %dma_wait3A_130] : memref<512x64xf32, #tpu.memory_space<vmem>> -> memref<128x64xf32, #tpu.memory_space<vmem>>
    %dma_wait3A_132 = arith.constant 256 : i32
    %dma_wait3A_133 = tpu.memref_slice %arg11[%dma_wait3A_132] : memref<2048xi32, #tpu.memory_space<vmem>> -> memref<128xi32, #tpu.memory_space<vmem>>
    %dma_wait3A_134 = arith.constant 0 : i32
    %dma_wait3A_135 = arith.constant 0 : i32
    %dma_wait3A_136 = tpu.memref_slice %arg6[%dma_wait3A_134, %dma_wait3A_135] : memref<100000x64xf32, #tpu.memory_space<hbm>> -> memref<100000x64xf32, #tpu.memory_space<hbm>>
    tpu.wait_indirect_dma semaphore(%arg16 : memref<!tpu.dma_semaphore, #tpu.memory_space<semaphore_mem>>) src(%dma_wait3A_136 : memref<100000x64xf32, #tpu.memory_space<hbm>>) dst(%dma_wait3A_131 : memref<128x64xf32, #tpu.memory_space<vmem>>)
    %dma_wait3A_137 = arith.constant 384 : i32
    %dma_wait3A_138 = arith.constant 0 : i32
    %dma_wait3A_139 = tpu.memref_slice %arg12[%dma_wait3A_137, %dma_wait3A_138] : memref<512x64xf32, #tpu.memory_space<vmem>> -> memref<128x64xf32, #tpu.memory_space<vmem>>
    %dma_wait3A_140 = arith.constant 384 : i32
    %dma_wait3A_141 = tpu.memref_slice %arg11[%dma_wait3A_140] : memref<2048xi32, #tpu.memory_space<vmem>> -> memref<128xi32, #tpu.memory_space<vmem>>
    %dma_wait3A_142 = arith.constant 0 : i32
    %dma_wait3A_143 = arith.constant 0 : i32
    %dma_wait3A_144 = tpu.memref_slice %arg6[%dma_wait3A_142, %dma_wait3A_143] : memref<100000x64xf32, #tpu.memory_space<hbm>> -> memref<100000x64xf32, #tpu.memory_space<hbm>>
    tpu.wait_indirect_dma semaphore(%arg16 : memref<!tpu.dma_semaphore, #tpu.memory_space<semaphore_mem>>) src(%dma_wait3A_144 : memref<100000x64xf32, #tpu.memory_space<hbm>>) dst(%dma_wait3A_139 : memref<128x64xf32, #tpu.memory_space<vmem>>)
    %dma_start3A_145 = arith.constant 0 : i32
    %dma_start3A_146 = arith.constant 0 : i32
    %dma_start3A_147 = tpu.memref_slice %arg14[%dma_start3A_145, %dma_start3A_146] : memref<512x64xf32, #tpu.memory_space<vmem>> -> memref<128x64xf32, #tpu.memory_space<vmem>>
    %dma_start3A_148 = arith.constant 1024 : i32
    %dma_start3A_149 = tpu.memref_slice %arg11[%dma_start3A_148] : memref<2048xi32, #tpu.memory_space<vmem>> -> memref<128xi32, #tpu.memory_space<vmem>>
    %dma_start3A_150 = arith.constant 0 : i32
    %dma_start3A_151 = arith.constant 0 : i32
    %dma_start3A_152 = tpu.memref_slice %arg8[%dma_start3A_150, %dma_start3A_151] : memref<100000x64xf32, #tpu.memory_space<hbm>> -> memref<100000x64xf32, #tpu.memory_space<hbm>>
    tpu.enqueue_indirect_dma source(%dma_start3A_152 : memref<100000x64xf32, #tpu.memory_space<hbm>>) target(%dma_start3A_147 : memref<128x64xf32, #tpu.memory_space<vmem>>) offsets(%dma_start3A_149 : memref<128xi32, #tpu.memory_space<vmem>>) semaphore(%arg16 : memref<!tpu.dma_semaphore, #tpu.memory_space<semaphore_mem>>)
    %dma_start3A_153 = arith.constant 128 : i32
    %dma_start3A_154 = arith.constant 0 : i32
    %dma_start3A_155 = tpu.memref_slice %arg14[%dma_start3A_153, %dma_start3A_154] : memref<512x64xf32, #tpu.memory_space<vmem>> -> memref<128x64xf32, #tpu.memory_space<vmem>>
    %dma_start3A_156 = arith.constant 1152 : i32
    %dma_start3A_157 = tpu.memref_slice %arg11[%dma_start3A_156] : memref<2048xi32, #tpu.memory_space<vmem>> -> memref<128xi32, #tpu.memory_space<vmem>>
    %dma_start3A_158 = arith.constant 0 : i32
    %dma_start3A_159 = arith.constant 0 : i32
    %dma_start3A_160 = tpu.memref_slice %arg8[%dma_start3A_158, %dma_start3A_159] : memref<100000x64xf32, #tpu.memory_space<hbm>> -> memref<100000x64xf32, #tpu.memory_space<hbm>>
    tpu.enqueue_indirect_dma source(%dma_start3A_160 : memref<100000x64xf32, #tpu.memory_space<hbm>>) target(%dma_start3A_155 : memref<128x64xf32, #tpu.memory_space<vmem>>) offsets(%dma_start3A_157 : memref<128xi32, #tpu.memory_space<vmem>>) semaphore(%arg16 : memref<!tpu.dma_semaphore, #tpu.memory_space<semaphore_mem>>)
    %dma_start3A_161 = arith.constant 256 : i32
    %dma_start3A_162 = arith.constant 0 : i32
    %dma_start3A_163 = tpu.memref_slice %arg14[%dma_start3A_161, %dma_start3A_162] : memref<512x64xf32, #tpu.memory_space<vmem>> -> memref<128x64xf32, #tpu.memory_space<vmem>>
    %dma_start3A_164 = arith.constant 1280 : i32
    %dma_start3A_165 = tpu.memref_slice %arg11[%dma_start3A_164] : memref<2048xi32, #tpu.memory_space<vmem>> -> memref<128xi32, #tpu.memory_space<vmem>>
    %dma_start3A_166 = arith.constant 0 : i32
    %dma_start3A_167 = arith.constant 0 : i32
    %dma_start3A_168 = tpu.memref_slice %arg8[%dma_start3A_166, %dma_start3A_167] : memref<100000x64xf32, #tpu.memory_space<hbm>> -> memref<100000x64xf32, #tpu.memory_space<hbm>>
    tpu.enqueue_indirect_dma source(%dma_start3A_168 : memref<100000x64xf32, #tpu.memory_space<hbm>>) target(%dma_start3A_163 : memref<128x64xf32, #tpu.memory_space<vmem>>) offsets(%dma_start3A_165 : memref<128xi32, #tpu.memory_space<vmem>>) semaphore(%arg16 : memref<!tpu.dma_semaphore, #tpu.memory_space<semaphore_mem>>)
    %dma_start3A_169 = arith.constant 384 : i32
    %dma_start3A_170 = arith.constant 0 : i32
    %dma_start3A_171 = tpu.memref_slice %arg14[%dma_start3A_169, %dma_start3A_170] : memref<512x64xf32, #tpu.memory_space<vmem>> -> memref<128x64xf32, #tpu.memory_space<vmem>>
    %dma_start3A_172 = arith.constant 1408 : i32
    %dma_start3A_173 = tpu.memref_slice %arg11[%dma_start3A_172] : memref<2048xi32, #tpu.memory_space<vmem>> -> memref<128xi32, #tpu.memory_space<vmem>>
    %dma_start3A_174 = arith.constant 0 : i32
    %dma_start3A_175 = arith.constant 0 : i32
    %dma_start3A_176 = tpu.memref_slice %arg8[%dma_start3A_174, %dma_start3A_175] : memref<100000x64xf32, #tpu.memory_space<hbm>> -> memref<100000x64xf32, #tpu.memory_space<hbm>>
    tpu.enqueue_indirect_dma source(%dma_start3A_176 : memref<100000x64xf32, #tpu.memory_space<hbm>>) target(%dma_start3A_171 : memref<128x64xf32, #tpu.memory_space<vmem>>) offsets(%dma_start3A_173 : memref<128xi32, #tpu.memory_space<vmem>>) semaphore(%arg16 : memref<!tpu.dma_semaphore, #tpu.memory_space<semaphore_mem>>)
    %dma_wait3A_177 = arith.constant 0 : i32
    %dma_wait3A_178 = arith.constant 0 : i32
    %dma_wait3A_179 = tpu.memref_slice %arg13[%dma_wait3A_177, %dma_wait3A_178] : memref<512x64xf32, #tpu.memory_space<vmem>> -> memref<128x64xf32, #tpu.memory_space<vmem>>
    %dma_wait3A_180 = arith.constant 512 : i32
    %dma_wait3A_181 = tpu.memref_slice %arg11[%dma_wait3A_180] : memref<2048xi32, #tpu.memory_space<vmem>> -> memref<128xi32, #tpu.memory_space<vmem>>
    %dma_wait3A_182 = arith.constant 0 : i32
    %dma_wait3A_183 = arith.constant 0 : i32
    %dma_wait3A_184 = tpu.memref_slice %arg7[%dma_wait3A_182, %dma_wait3A_183] : memref<100000x64xf32, #tpu.memory_space<hbm>> -> memref<100000x64xf32, #tpu.memory_space<hbm>>
    tpu.wait_indirect_dma semaphore(%arg17 : memref<!tpu.dma_semaphore, #tpu.memory_space<semaphore_mem>>) src(%dma_wait3A_184 : memref<100000x64xf32, #tpu.memory_space<hbm>>) dst(%dma_wait3A_179 : memref<128x64xf32, #tpu.memory_space<vmem>>)
    %dma_wait3A_185 = arith.constant 128 : i32
    %dma_wait3A_186 = arith.constant 0 : i32
    %dma_wait3A_187 = tpu.memref_slice %arg13[%dma_wait3A_185, %dma_wait3A_186] : memref<512x64xf32, #tpu.memory_space<vmem>> -> memref<128x64xf32, #tpu.memory_space<vmem>>
    %dma_wait3A_188 = arith.constant 640 : i32
    %dma_wait3A_189 = tpu.memref_slice %arg11[%dma_wait3A_188] : memref<2048xi32, #tpu.memory_space<vmem>> -> memref<128xi32, #tpu.memory_space<vmem>>
    %dma_wait3A_190 = arith.constant 0 : i32
    %dma_wait3A_191 = arith.constant 0 : i32
    %dma_wait3A_192 = tpu.memref_slice %arg7[%dma_wait3A_190, %dma_wait3A_191] : memref<100000x64xf32, #tpu.memory_space<hbm>> -> memref<100000x64xf32, #tpu.memory_space<hbm>>
    tpu.wait_indirect_dma semaphore(%arg17 : memref<!tpu.dma_semaphore, #tpu.memory_space<semaphore_mem>>) src(%dma_wait3A_192 : memref<100000x64xf32, #tpu.memory_space<hbm>>) dst(%dma_wait3A_187 : memref<128x64xf32, #tpu.memory_space<vmem>>)
    %dma_wait3A_193 = arith.constant 256 : i32
    %dma_wait3A_194 = arith.constant 0 : i32
    %dma_wait3A_195 = tpu.memref_slice %arg13[%dma_wait3A_193, %dma_wait3A_194] : memref<512x64xf32, #tpu.memory_space<vmem>> -> memref<128x64xf32, #tpu.memory_space<vmem>>
    %dma_wait3A_196 = arith.constant 768 : i32
    %dma_wait3A_197 = tpu.memref_slice %arg11[%dma_wait3A_196] : memref<2048xi32, #tpu.memory_space<vmem>> -> memref<128xi32, #tpu.memory_space<vmem>>
    %dma_wait3A_198 = arith.constant 0 : i32
    %dma_wait3A_199 = arith.constant 0 : i32
    %dma_wait3A_200 = tpu.memref_slice %arg7[%dma_wait3A_198, %dma_wait3A_199] : memref<100000x64xf32, #tpu.memory_space<hbm>> -> memref<100000x64xf32, #tpu.memory_space<hbm>>
    tpu.wait_indirect_dma semaphore(%arg17 : memref<!tpu.dma_semaphore, #tpu.memory_space<semaphore_mem>>) src(%dma_wait3A_200 : memref<100000x64xf32, #tpu.memory_space<hbm>>) dst(%dma_wait3A_195 : memref<128x64xf32, #tpu.memory_space<vmem>>)
    %dma_wait3A_201 = arith.constant 384 : i32
    %dma_wait3A_202 = arith.constant 0 : i32
    %dma_wait3A_203 = tpu.memref_slice %arg13[%dma_wait3A_201, %dma_wait3A_202] : memref<512x64xf32, #tpu.memory_space<vmem>> -> memref<128x64xf32, #tpu.memory_space<vmem>>
    %dma_wait3A_204 = arith.constant 896 : i32
    %dma_wait3A_205 = tpu.memref_slice %arg11[%dma_wait3A_204] : memref<2048xi32, #tpu.memory_space<vmem>> -> memref<128xi32, #tpu.memory_space<vmem>>
    %dma_wait3A_206 = arith.constant 0 : i32
    %dma_wait3A_207 = arith.constant 0 : i32
    %dma_wait3A_208 = tpu.memref_slice %arg7[%dma_wait3A_206, %dma_wait3A_207] : memref<100000x64xf32, #tpu.memory_space<hbm>> -> memref<100000x64xf32, #tpu.memory_space<hbm>>
    tpu.wait_indirect_dma semaphore(%arg17 : memref<!tpu.dma_semaphore, #tpu.memory_space<semaphore_mem>>) src(%dma_wait3A_208 : memref<100000x64xf32, #tpu.memory_space<hbm>>) dst(%dma_wait3A_203 : memref<128x64xf32, #tpu.memory_space<vmem>>)
    %scan3A = arith.constant 0 : i32
    %scan3A_209 = arith.constant 0 : i32
    %scan3A_210 = arith.constant 128 : i32
    %scan3A_211 = arith.addi %scan3A_209, %scan3A_210 : i32
    %scan3A_212 = arith.constant 1 : i32
    scf.for %scan3A_324 = %scan3A_209 to %scan3A_211 step %scan3A_212  : i32 {
      %mul3A_325 = arith.constant 4 : i32
      %mul3A_326 = arith.muli %scan3A_324, %mul3A_325 : i32
      %add3A_327 = arith.constant 0 : i32
      %add3A_328 = arith.addi %mul3A_326, %add3A_327 : i32
      %add3A_329 = arith.constant 0 : i32
      %add3A_330 = arith.addi %mul3A_326, %add3A_329 : i32
      %get3A = arith.index_cast %add3A_330 : i32 to index
      %get3A_331 = arith.constant 0 : index
      %get3A_332 = tpu.vector_load %arg13[%get3A, %get3A_331] {strides = array<i32>} : memref<512x64xf32, #tpu.memory_space<vmem>>, vector<1x16xf32>,
      %get3A_333 = vector.shape_cast %get3A_332 : vector<1x16xf32> to vector<16xf32>
      %swap3A = arith.index_cast %add3A_328 : i32 to index
      %swap3A_334 = arith.constant 0 : index
      %swap3A_335 = tpu.vector_load %arg12[%swap3A, %swap3A_334] {strides = array<i32>} : memref<512x64xf32, #tpu.memory_space<vmem>>, vector<1x16xf32>,
      %swap3A_336 = vector.shape_cast %swap3A_335 : vector<1x16xf32> to vector<16xf32>
      %swap3A_337 = vector.shape_cast %get3A_333 : vector<16xf32> to vector<1x16xf32>
      tpu.vector_store %arg12[%swap3A, %swap3A_334], %swap3A_337 {add = true, strides = array<i32>} : memref<512x64xf32, #tpu.memory_space<vmem>>, vector<1x16xf32>,
      %add3A_338 = arith.constant 0 : i32
      %add3A_339 = arith.addi %mul3A_326, %add3A_338 : i32
      %add3A_340 = arith.constant 0 : i32
      %add3A_341 = arith.addi %mul3A_326, %add3A_340 : i32
      %get3A_342 = arith.index_cast %add3A_341 : i32 to index
      %get3A_343 = arith.constant 16 : index
      %get3A_344 = tpu.vector_load %arg13[%get3A_342, %get3A_343] {strides = array<i32>} : memref<512x64xf32, #tpu.memory_space<vmem>>, vector<1x16xf32>,
      %get3A_345 = vector.shape_cast %get3A_344 : vector<1x16xf32> to vector<16xf32>
      %swap3A_346 = arith.index_cast %add3A_339 : i32 to index
      %swap3A_347 = arith.constant 16 : index
      %swap3A_348 = tpu.vector_load %arg12[%swap3A_346, %swap3A_347] {strides = array<i32>} : memref<512x64xf32, #tpu.memory_space<vmem>>, vector<1x16xf32>,
      %swap3A_349 = vector.shape_cast %swap3A_348 : vector<1x16xf32> to vector<16xf32>
      %swap3A_350 = vector.shape_cast %get3A_345 : vector<16xf32> to vector<1x16xf32>
      tpu.vector_store %arg12[%swap3A_346, %swap3A_347], %swap3A_350 {add = true, strides = array<i32>} : memref<512x64xf32, #tpu.memory_space<vmem>>, vector<1x16xf32>,
      %add3A_351 = arith.constant 0 : i32
      %add3A_352 = arith.addi %mul3A_326, %add3A_351 : i32
      %add3A_353 = arith.constant 0 : i32
      %add3A_354 = arith.addi %mul3A_326, %add3A_353 : i32
      %get3A_355 = arith.index_cast %add3A_354 : i32 to index
      %get3A_356 = arith.constant 32 : index
      %get3A_357 = tpu.vector_load %arg13[%get3A_355, %get3A_356] {strides = array<i32>} : memref<512x64xf32, #tpu.memory_space<vmem>>, vector<1x16xf32>,
      %get3A_358 = vector.shape_cast %get3A_357 : vector<1x16xf32> to vector<16xf32>
      %swap3A_359 = arith.index_cast %add3A_352 : i32 to index
      %swap3A_360 = arith.constant 32 : index
      %swap3A_361 = tpu.vector_load %arg12[%swap3A_359, %swap3A_360] {strides = array<i32>} : memref<512x64xf32, #tpu.memory_space<vmem>>, vector<1x16xf32>,
      %swap3A_362 = vector.shape_cast %swap3A_361 : vector<1x16xf32> to vector<16xf32>
      %swap3A_363 = vector.shape_cast %get3A_358 : vector<16xf32> to vector<1x16xf32>
      tpu.vector_store %arg12[%swap3A_359, %swap3A_360], %swap3A_363 {add = true, strides = array<i32>} : memref<512x64xf32, #tpu.memory_space<vmem>>, vector<1x16xf32>,
      %add3A_364 = arith.constant 0 : i32
      %add3A_365 = arith.addi %mul3A_326, %add3A_364 : i32
      %add3A_366 = arith.constant 0 : i32
      %add3A_367 = arith.addi %mul3A_326, %add3A_366 : i32
      %get3A_368 = arith.index_cast %add3A_367 : i32 to index
      %get3A_369 = arith.constant 48 : index
      %get3A_370 = tpu.vector_load %arg13[%get3A_368, %get3A_369] {strides = array<i32>} : memref<512x64xf32, #tpu.memory_space<vmem>>, vector<1x16xf32>,
      %get3A_371 = vector.shape_cast %get3A_370 : vector<1x16xf32> to vector<16xf32>
      %swap3A_372 = arith.index_cast %add3A_365 : i32 to index
      %swap3A_373 = arith.constant 48 : index
      %swap3A_374 = tpu.vector_load %arg12[%swap3A_372, %swap3A_373] {strides = array<i32>} : memref<512x64xf32, #tpu.memory_space<vmem>>, vector<1x16xf32>,
      %swap3A_375 = vector.shape_cast %swap3A_374 : vector<1x16xf32> to vector<16xf32>
      %swap3A_376 = vector.shape_cast %get3A_371 : vector<16xf32> to vector<1x16xf32>
      tpu.vector_store %arg12[%swap3A_372, %swap3A_373], %swap3A_376 {add = true, strides = array<i32>} : memref<512x64xf32, #tpu.memory_space<vmem>>, vector<1x16xf32>,
      %add3A_377 = arith.constant 1 : i32
      %add3A_378 = arith.addi %mul3A_326, %add3A_377 : i32
      %add3A_379 = arith.constant 1 : i32
      %add3A_380 = arith.addi %mul3A_326, %add3A_379 : i32
      %get3A_381 = arith.index_cast %add3A_380 : i32 to index
      %get3A_382 = arith.constant 0 : index
      %get3A_383 = tpu.vector_load %arg13[%get3A_381, %get3A_382] {strides = array<i32>} : memref<512x64xf32, #tpu.memory_space<vmem>>, vector<1x16xf32>,
      %get3A_384 = vector.shape_cast %get3A_383 : vector<1x16xf32> to vector<16xf32>
      %swap3A_385 = arith.index_cast %add3A_378 : i32 to index
      %swap3A_386 = arith.constant 0 : index
      %swap3A_387 = tpu.vector_load %arg12[%swap3A_385, %swap3A_386] {strides = array<i32>} : memref<512x64xf32, #tpu.memory_space<vmem>>, vector<1x16xf32>,
      %swap3A_388 = vector.shape_cast %swap3A_387 : vector<1x16xf32> to vector<16xf32>
      %swap3A_389 = vector.shape_cast %get3A_384 : vector<16xf32> to vector<1x16xf32>
      tpu.vector_store %arg12[%swap3A_385, %swap3A_386], %swap3A_389 {add = true, strides = array<i32>} : memref<512x64xf32, #tpu.memory_space<vmem>>, vector<1x16xf32>,
      %add3A_390 = arith.constant 1 : i32
      %add3A_391 = arith.addi %mul3A_326, %add3A_390 : i32
      %add3A_392 = arith.constant 1 : i32
      %add3A_393 = arith.addi %mul3A_326, %add3A_392 : i32
      %get3A_394 = arith.index_cast %add3A_393 : i32 to index
      %get3A_395 = arith.constant 16 : index
      %get3A_396 = tpu.vector_load %arg13[%get3A_394, %get3A_395] {strides = array<i32>} : memref<512x64xf32, #tpu.memory_space<vmem>>, vector<1x16xf32>,
      %get3A_397 = vector.shape_cast %get3A_396 : vector<1x16xf32> to vector<16xf32>
      %swap3A_398 = arith.index_cast %add3A_391 : i32 to index
      %swap3A_399 = arith.constant 16 : index
      %swap3A_400 = tpu.vector_load %arg12[%swap3A_398, %swap3A_399] {strides = array<i32>} : memref<512x64xf32, #tpu.memory_space<vmem>>, vector<1x16xf32>,
      %swap3A_401 = vector.shape_cast %swap3A_400 : vector<1x16xf32> to vector<16xf32>
      %swap3A_402 = vector.shape_cast %get3A_397 : vector<16xf32> to vector<1x16xf32>
      tpu.vector_store %arg12[%swap3A_398, %swap3A_399], %swap3A_402 {add = true, strides = array<i32>} : memref<512x64xf32, #tpu.memory_space<vmem>>, vector<1x16xf32>,
      %add3A_403 = arith.constant 1 : i32
      %add3A_404 = arith.addi %mul3A_326, %add3A_403 : i32
      %add3A_405 = arith.constant 1 : i32
      %add3A_406 = arith.addi %mul3A_326, %add3A_405 : i32
      %get3A_407 = arith.index_cast %add3A_406 : i32 to index
      %get3A_408 = arith.constant 32 : index
      %get3A_409 = tpu.vector_load %arg13[%get3A_407, %get3A_408] {strides = array<i32>} : memref<512x64xf32, #tpu.memory_space<vmem>>, vector<1x16xf32>,
      %get3A_410 = vector.shape_cast %get3A_409 : vector<1x16xf32> to vector<16xf32>
      %swap3A_411 = arith.index_cast %add3A_404 : i32 to index
      %swap3A_412 = arith.constant 32 : index
      %swap3A_413 = tpu.vector_load %arg12[%swap3A_411, %swap3A_412] {strides = array<i32>} : memref<512x64xf32, #tpu.memory_space<vmem>>, vector<1x16xf32>,
      %swap3A_414 = vector.shape_cast %swap3A_413 : vector<1x16xf32> to vector<16xf32>
      %swap3A_415 = vector.shape_cast %get3A_410 : vector<16xf32> to vector<1x16xf32>
      tpu.vector_store %arg12[%swap3A_411, %swap3A_412], %swap3A_415 {add = true, strides = array<i32>} : memref<512x64xf32, #tpu.memory_space<vmem>>, vector<1x16xf32>,
      %add3A_416 = arith.constant 1 : i32
      %add3A_417 = arith.addi %mul3A_326, %add3A_416 : i32
      %add3A_418 = arith.constant 1 : i32
      %add3A_419 = arith.addi %mul3A_326, %add3A_418 : i32
      %get3A_420 = arith.index_cast %add3A_419 : i32 to index
      %get3A_421 = arith.constant 48 : index
      %get3A_422 = tpu.vector_load %arg13[%get3A_420, %get3A_421] {strides = array<i32>} : memref<512x64xf32, #tpu.memory_space<vmem>>, vector<1x16xf32>,
      %get3A_423 = vector.shape_cast %get3A_422 : vector<1x16xf32> to vector<16xf32>
      %swap3A_424 = arith.index_cast %add3A_417 : i32 to index
      %swap3A_425 = arith.constant 48 : index
      %swap3A_426 = tpu.vector_load %arg12[%swap3A_424, %swap3A_425] {strides = array<i32>} : memref<512x64xf32, #tpu.memory_space<vmem>>, vector<1x16xf32>,
      %swap3A_427 = vector.shape_cast %swap3A_426 : vector<1x16xf32> to vector<16xf32>
      %swap3A_428 = vector.shape_cast %get3A_423 : vector<16xf32> to vector<1x16xf32>
      tpu.vector_store %arg12[%swap3A_424, %swap3A_425], %swap3A_428 {add = true, strides = array<i32>} : memref<512x64xf32, #tpu.memory_space<vmem>>, vector<1x16xf32>,
      %add3A_429 = arith.constant 2 : i32
      %add3A_430 = arith.addi %mul3A_326, %add3A_429 : i32
      %add3A_431 = arith.constant 2 : i32
      %add3A_432 = arith.addi %mul3A_326, %add3A_431 : i32
      %get3A_433 = arith.index_cast %add3A_432 : i32 to index
      %get3A_434 = arith.constant 0 : index
      %get3A_435 = tpu.vector_load %arg13[%get3A_433, %get3A_434] {strides = array<i32>} : memref<512x64xf32, #tpu.memory_space<vmem>>, vector<1x16xf32>,
      %get3A_436 = vector.shape_cast %get3A_435 : vector<1x16xf32> to vector<16xf32>
      %swap3A_437 = arith.index_cast %add3A_430 : i32 to index
      %swap3A_438 = arith.constant 0 : index
      %swap3A_439 = tpu.vector_load %arg12[%swap3A_437, %swap3A_438] {strides = array<i32>} : memref<512x64xf32, #tpu.memory_space<vmem>>, vector<1x16xf32>,
      %swap3A_440 = vector.shape_cast %swap3A_439 : vector<1x16xf32> to vector<16xf32>
      %swap3A_441 = vector.shape_cast %get3A_436 : vector<16xf32> to vector<1x16xf32>
      tpu.vector_store %arg12[%swap3A_437, %swap3A_438], %swap3A_441 {add = true, strides = array<i32>} : memref<512x64xf32, #tpu.memory_space<vmem>>, vector<1x16xf32>,
      %add3A_442 = arith.constant 2 : i32
      %add3A_443 = arith.addi %mul3A_326, %add3A_442 : i32
      %add3A_444 = arith.constant 2 : i32
      %add3A_445 = arith.addi %mul3A_326, %add3A_444 : i32
      %get3A_446 = arith.index_cast %add3A_445 : i32 to index
      %get3A_447 = arith.constant 16 : index
      %get3A_448 = tpu.vector_load %arg13[%get3A_446, %get3A_447] {strides = array<i32>} : memref<512x64xf32, #tpu.memory_space<vmem>>, vector<1x16xf32>,
      %get3A_449 = vector.shape_cast %get3A_448 : vector<1x16xf32> to vector<16xf32>
      %swap3A_450 = arith.index_cast %add3A_443 : i32 to index
      %swap3A_451 = arith.constant 16 : index
      %swap3A_452 = tpu.vector_load %arg12[%swap3A_450, %swap3A_451] {strides = array<i32>} : memref<512x64xf32, #tpu.memory_space<vmem>>, vector<1x16xf32>,
      %swap3A_453 = vector.shape_cast %swap3A_452 : vector<1x16xf32> to vector<16xf32>
      %swap3A_454 = vector.shape_cast %get3A_449 : vector<16xf32> to vector<1x16xf32>
      tpu.vector_store %arg12[%swap3A_450, %swap3A_451], %swap3A_454 {add = true, strides = array<i32>} : memref<512x64xf32, #tpu.memory_space<vmem>>, vector<1x16xf32>,
      %add3A_455 = arith.constant 2 : i32
      %add3A_456 = arith.addi %mul3A_326, %add3A_455 : i32
      %add3A_457 = arith.constant 2 : i32
      %add3A_458 = arith.addi %mul3A_326, %add3A_457 : i32
      %get3A_459 = arith.index_cast %add3A_458 : i32 to index
      %get3A_460 = arith.constant 32 : index
      %get3A_461 = tpu.vector_load %arg13[%get3A_459, %get3A_460] {strides = array<i32>} : memref<512x64xf32, #tpu.memory_space<vmem>>, vector<1x16xf32>,
      %get3A_462 = vector.shape_cast %get3A_461 : vector<1x16xf32> to vector<16xf32>
      %swap3A_463 = arith.index_cast %add3A_456 : i32 to index
      %swap3A_464 = arith.constant 32 : index
      %swap3A_465 = tpu.vector_load %arg12[%swap3A_463, %swap3A_464] {strides = array<i32>} : memref<512x64xf32, #tpu.memory_space<vmem>>, vector<1x16xf32>,
      %swap3A_466 = vector.shape_cast %swap3A_465 : vector<1x16xf32> to vector<16xf32>
      %swap3A_467 = vector.shape_cast %get3A_462 : vector<16xf32> to vector<1x16xf32>
      tpu.vector_store %arg12[%swap3A_463, %swap3A_464], %swap3A_467 {add = true, strides = array<i32>} : memref<512x64xf32, #tpu.memory_space<vmem>>, vector<1x16xf32>,
      %add3A_468 = arith.constant 2 : i32
      %add3A_469 = arith.addi %mul3A_326, %add3A_468 : i32
      %add3A_470 = arith.constant 2 : i32
      %add3A_471 = arith.addi %mul3A_326, %add3A_470 : i32
      %get3A_472 = arith.index_cast %add3A_471 : i32 to index
      %get3A_473 = arith.constant 48 : index
      %get3A_474 = tpu.vector_load %arg13[%get3A_472, %get3A_473] {strides = array<i32>} : memref<512x64xf32, #tpu.memory_space<vmem>>, vector<1x16xf32>,
      %get3A_475 = vector.shape_cast %get3A_474 : vector<1x16xf32> to vector<16xf32>
      %swap3A_476 = arith.index_cast %add3A_469 : i32 to index
      %swap3A_477 = arith.constant 48 : index
      %swap3A_478 = tpu.vector_load %arg12[%swap3A_476, %swap3A_477] {strides = array<i32>} : memref<512x64xf32, #tpu.memory_space<vmem>>, vector<1x16xf32>,
      %swap3A_479 = vector.shape_cast %swap3A_478 : vector<1x16xf32> to vector<16xf32>
      %swap3A_480 = vector.shape_cast %get3A_475 : vector<16xf32> to vector<1x16xf32>
      tpu.vector_store %arg12[%swap3A_476, %swap3A_477], %swap3A_480 {add = true, strides = array<i32>} : memref<512x64xf32, #tpu.memory_space<vmem>>, vector<1x16xf32>,
      %add3A_481 = arith.constant 3 : i32
      %add3A_482 = arith.addi %mul3A_326, %add3A_481 : i32
      %add3A_483 = arith.constant 3 : i32
      %add3A_484 = arith.addi %mul3A_326, %add3A_483 : i32
      %get3A_485 = arith.index_cast %add3A_484 : i32 to index
      %get3A_486 = arith.constant 0 : index
      %get3A_487 = tpu.vector_load %arg13[%get3A_485, %get3A_486] {strides = array<i32>} : memref<512x64xf32, #tpu.memory_space<vmem>>, vector<1x16xf32>,
      %get3A_488 = vector.shape_cast %get3A_487 : vector<1x16xf32> to vector<16xf32>
      %swap3A_489 = arith.index_cast %add3A_482 : i32 to index
      %swap3A_490 = arith.constant 0 : index
      %swap3A_491 = tpu.vector_load %arg12[%swap3A_489, %swap3A_490] {strides = array<i32>} : memref<512x64xf32, #tpu.memory_space<vmem>>, vector<1x16xf32>,
      %swap3A_492 = vector.shape_cast %swap3A_491 : vector<1x16xf32> to vector<16xf32>
      %swap3A_493 = vector.shape_cast %get3A_488 : vector<16xf32> to vector<1x16xf32>
      tpu.vector_store %arg12[%swap3A_489, %swap3A_490], %swap3A_493 {add = true, strides = array<i32>} : memref<512x64xf32, #tpu.memory_space<vmem>>, vector<1x16xf32>,
      %add3A_494 = arith.constant 3 : i32
      %add3A_495 = arith.addi %mul3A_326, %add3A_494 : i32
      %add3A_496 = arith.constant 3 : i32
      %add3A_497 = arith.addi %mul3A_326, %add3A_496 : i32
      %get3A_498 = arith.index_cast %add3A_497 : i32 to index
      %get3A_499 = arith.constant 16 : index
      %get3A_500 = tpu.vector_load %arg13[%get3A_498, %get3A_499] {strides = array<i32>} : memref<512x64xf32, #tpu.memory_space<vmem>>, vector<1x16xf32>,
      %get3A_501 = vector.shape_cast %get3A_500 : vector<1x16xf32> to vector<16xf32>
      %swap3A_502 = arith.index_cast %add3A_495 : i32 to index
      %swap3A_503 = arith.constant 16 : index
      %swap3A_504 = tpu.vector_load %arg12[%swap3A_502, %swap3A_503] {strides = array<i32>} : memref<512x64xf32, #tpu.memory_space<vmem>>, vector<1x16xf32>,
      %swap3A_505 = vector.shape_cast %swap3A_504 : vector<1x16xf32> to vector<16xf32>
      %swap3A_506 = vector.shape_cast %get3A_501 : vector<16xf32> to vector<1x16xf32>
      tpu.vector_store %arg12[%swap3A_502, %swap3A_503], %swap3A_506 {add = true, strides = array<i32>} : memref<512x64xf32, #tpu.memory_space<vmem>>, vector<1x16xf32>,
      %add3A_507 = arith.constant 3 : i32
      %add3A_508 = arith.addi %mul3A_326, %add3A_507 : i32
      %add3A_509 = arith.constant 3 : i32
      %add3A_510 = arith.addi %mul3A_326, %add3A_509 : i32
      %get3A_511 = arith.index_cast %add3A_510 : i32 to index
      %get3A_512 = arith.constant 32 : index
      %get3A_513 = tpu.vector_load %arg13[%get3A_511, %get3A_512] {strides = array<i32>} : memref<512x64xf32, #tpu.memory_space<vmem>>, vector<1x16xf32>,
      %get3A_514 = vector.shape_cast %get3A_513 : vector<1x16xf32> to vector<16xf32>
      %swap3A_515 = arith.index_cast %add3A_508 : i32 to index
      %swap3A_516 = arith.constant 32 : index
      %swap3A_517 = tpu.vector_load %arg12[%swap3A_515, %swap3A_516] {strides = array<i32>} : memref<512x64xf32, #tpu.memory_space<vmem>>, vector<1x16xf32>,
      %swap3A_518 = vector.shape_cast %swap3A_517 : vector<1x16xf32> to vector<16xf32>
      %swap3A_519 = vector.shape_cast %get3A_514 : vector<16xf32> to vector<1x16xf32>
      tpu.vector_store %arg12[%swap3A_515, %swap3A_516], %swap3A_519 {add = true, strides = array<i32>} : memref<512x64xf32, #tpu.memory_space<vmem>>, vector<1x16xf32>,
      %add3A_520 = arith.constant 3 : i32
      %add3A_521 = arith.addi %mul3A_326, %add3A_520 : i32
      %add3A_522 = arith.constant 3 : i32
      %add3A_523 = arith.addi %mul3A_326, %add3A_522 : i32
      %get3A_524 = arith.index_cast %add3A_523 : i32 to index
      %get3A_525 = arith.constant 48 : index
      %get3A_526 = tpu.vector_load %arg13[%get3A_524, %get3A_525] {strides = array<i32>} : memref<512x64xf32, #tpu.memory_space<vmem>>, vector<1x16xf32>,
      %get3A_527 = vector.shape_cast %get3A_526 : vector<1x16xf32> to vector<16xf32>
      %swap3A_528 = arith.index_cast %add3A_521 : i32 to index
      %swap3A_529 = arith.constant 48 : index
      %swap3A_530 = tpu.vector_load %arg12[%swap3A_528, %swap3A_529] {strides = array<i32>} : memref<512x64xf32, #tpu.memory_space<vmem>>, vector<1x16xf32>,
      %swap3A_531 = vector.shape_cast %swap3A_530 : vector<1x16xf32> to vector<16xf32>
      %swap3A_532 = vector.shape_cast %get3A_527 : vector<16xf32> to vector<1x16xf32>
      tpu.vector_store %arg12[%swap3A_528, %swap3A_529], %swap3A_532 {add = true, strides = array<i32>} : memref<512x64xf32, #tpu.memory_space<vmem>>, vector<1x16xf32>,
    }
    %scan3A_213 = arith.constant 128 : i32
    %dma_start3A_214 = arith.constant 0 : i32
    %dma_start3A_215 = arith.constant 0 : i32
    %dma_start3A_216 = tpu.memref_slice %arg13[%dma_start3A_214, %dma_start3A_215] : memref<512x64xf32, #tpu.memory_space<vmem>> -> memref<128x64xf32, #tpu.memory_space<vmem>>
    %dma_start3A_217 = arith.constant 1536 : i32
    %dma_start3A_218 = tpu.memref_slice %arg11[%dma_start3A_217] : memref<2048xi32, #tpu.memory_space<vmem>> -> memref<128xi32, #tpu.memory_space<vmem>>
    %dma_start3A_219 = arith.constant 0 : i32
    %dma_start3A_220 = arith.constant 0 : i32
    %dma_start3A_221 = tpu.memref_slice %arg9[%dma_start3A_219, %dma_start3A_220] : memref<100000x64xf32, #tpu.memory_space<hbm>> -> memref<100000x64xf32, #tpu.memory_space<hbm>>
    tpu.enqueue_indirect_dma source(%dma_start3A_221 : memref<100000x64xf32, #tpu.memory_space<hbm>>) target(%dma_start3A_216 : memref<128x64xf32, #tpu.memory_space<vmem>>) offsets(%dma_start3A_218 : memref<128xi32, #tpu.memory_space<vmem>>) semaphore(%arg17 : memref<!tpu.dma_semaphore, #tpu.memory_space<semaphore_mem>>)
    %dma_start3A_222 = arith.constant 128 : i32
    %dma_start3A_223 = arith.constant 0 : i32
    %dma_start3A_224 = tpu.memref_slice %arg13[%dma_start3A_222, %dma_start3A_223] : memref<512x64xf32, #tpu.memory_space<vmem>> -> memref<128x64xf32, #tpu.memory_space<vmem>>
    %dma_start3A_225 = arith.constant 1664 : i32
    %dma_start3A_226 = tpu.memref_slice %arg11[%dma_start3A_225] : memref<2048xi32, #tpu.memory_space<vmem>> -> memref<128xi32, #tpu.memory_space<vmem>>
    %dma_start3A_227 = arith.constant 0 : i32
    %dma_start3A_228 = arith.constant 0 : i32
    %dma_start3A_229 = tpu.memref_slice %arg9[%dma_start3A_227, %dma_start3A_228] : memref<100000x64xf32, #tpu.memory_space<hbm>> -> memref<100000x64xf32, #tpu.memory_space<hbm>>
    tpu.enqueue_indirect_dma source(%dma_start3A_229 : memref<100000x64xf32, #tpu.memory_space<hbm>>) target(%dma_start3A_224 : memref<128x64xf32, #tpu.memory_space<vmem>>) offsets(%dma_start3A_226 : memref<128xi32, #tpu.memory_space<vmem>>) semaphore(%arg17 : memref<!tpu.dma_semaphore, #tpu.memory_space<semaphore_mem>>)
    %dma_start3A_230 = arith.constant 256 : i32
    %dma_start3A_231 = arith.constant 0 : i32
    %dma_start3A_232 = tpu.memref_slice %arg13[%dma_start3A_230, %dma_start3A_231] : memref<512x64xf32, #tpu.memory_space<vmem>> -> memref<128x64xf32, #tpu.memory_space<vmem>>
    %dma_start3A_233 = arith.constant 1792 : i32
    %dma_start3A_234 = tpu.memref_slice %arg11[%dma_start3A_233] : memref<2048xi32, #tpu.memory_space<vmem>> -> memref<128xi32, #tpu.memory_space<vmem>>
    %dma_start3A_235 = arith.constant 0 : i32
    %dma_start3A_236 = arith.constant 0 : i32
    %dma_start3A_237 = tpu.memref_slice %arg9[%dma_start3A_235, %dma_start3A_236] : memref<100000x64xf32, #tpu.memory_space<hbm>> -> memref<100000x64xf32, #tpu.memory_space<hbm>>
    tpu.enqueue_indirect_dma source(%dma_start3A_237 : memref<100000x64xf32, #tpu.memory_space<hbm>>) target(%dma_start3A_232 : memref<128x64xf32, #tpu.memory_space<vmem>>) offsets(%dma_start3A_234 : memref<128xi32, #tpu.memory_space<vmem>>) semaphore(%arg17 : memref<!tpu.dma_semaphore, #tpu.memory_space<semaphore_mem>>)
    %dma_start3A_238 = arith.constant 384 : i32
    %dma_start3A_239 = arith.constant 0 : i32
    %dma_start3A_240 = tpu.memref_slice %arg13[%dma_start3A_238, %dma_start3A_239] : memref<512x64xf32, #tpu.memory_space<vmem>> -> memref<128x64xf32, #tpu.memory_space<vmem>>
    %dma_start3A_241 = arith.constant 1920 : i32
    %dma_start3A_242 = tpu.memref_slice %arg11[%dma_start3A_241] : memref<2048xi32, #tpu.memory_space<vmem>> -> memref<128xi32, #tpu.memory_space<vmem>>
    %dma_start3A_243 = arith.constant 0 : i32
    %dma_start3A_244 = arith.constant 0 : i32
    %dma_start3A_245 = tpu.memref_slice %arg9[%dma_start3A_243, %dma_start3A_244] : memref<100000x64xf32, #tpu.memory_space<hbm>> -> memref<100000x64xf32, #tpu.memory_space<hbm>>
    tpu.enqueue_indirect_dma source(%dma_start3A_245 : memref<100000x64xf32, #tpu.memory_space<hbm>>) target(%dma_start3A_240 : memref<128x64xf32, #tpu.memory_space<vmem>>) offsets(%dma_start3A_242 : memref<128xi32, #tpu.memory_space<vmem>>) semaphore(%arg17 : memref<!tpu.dma_semaphore, #tpu.memory_space<semaphore_mem>>)
    %dma_wait3A_246 = arith.constant 0 : i32
    %dma_wait3A_247 = arith.constant 0 : i32
    %dma_wait3A_248 = tpu.memref_slice %arg14[%dma_wait3A_246, %dma_wait3A_247] : memref<512x64xf32, #tpu.memory_space<vmem>> -> memref<128x64xf32, #tpu.memory_space<vmem>>
    %dma_wait3A_249 = arith.constant 1024 : i32
    %dma_wait3A_250 = tpu.memref_slice %arg11[%dma_wait3A_249] : memref<2048xi32, #tpu.memory_space<vmem>> -> memref<128xi32, #tpu.memory_space<vmem>>
    %dma_wait3A_251 = arith.constant 0 : i32
    %dma_wait3A_252 = arith.constant 0 : i32
    %dma_wait3A_253 = tpu.memref_slice %arg8[%dma_wait3A_251, %dma_wait3A_252] : memref<100000x64xf32, #tpu.memory_space<hbm>> -> memref<100000x64xf32, #tpu.memory_space<hbm>>
    tpu.wait_indirect_dma semaphore(%arg16 : memref<!tpu.dma_semaphore, #tpu.memory_space<semaphore_mem>>) src(%dma_wait3A_253 : memref<100000x64xf32, #tpu.memory_space<hbm>>) dst(%dma_wait3A_248 : memref<128x64xf32, #tpu.memory_space<vmem>>)
    %dma_wait3A_254 = arith.constant 128 : i32
    %dma_wait3A_255 = arith.constant 0 : i32
    %dma_wait3A_256 = tpu.memref_slice %arg14[%dma_wait3A_254, %dma_wait3A_255] : memref<512x64xf32, #tpu.memory_space<vmem>> -> memref<128x64xf32, #tpu.memory_space<vmem>>
    %dma_wait3A_257 = arith.constant 1152 : i32
    %dma_wait3A_258 = tpu.memref_slice %arg11[%dma_wait3A_257] : memref<2048xi32, #tpu.memory_space<vmem>> -> memref<128xi32, #tpu.memory_space<vmem>>
    %dma_wait3A_259 = arith.constant 0 : i32
    %dma_wait3A_260 = arith.constant 0 : i32
    %dma_wait3A_261 = tpu.memref_slice %arg8[%dma_wait3A_259, %dma_wait3A_260] : memref<100000x64xf32, #tpu.memory_space<hbm>> -> memref<100000x64xf32, #tpu.memory_space<hbm>>
    tpu.wait_indirect_dma semaphore(%arg16 : memref<!tpu.dma_semaphore, #tpu.memory_space<semaphore_mem>>) src(%dma_wait3A_261 : memref<100000x64xf32, #tpu.memory_space<hbm>>) dst(%dma_wait3A_256 : memref<128x64xf32, #tpu.memory_space<vmem>>)
    %dma_wait3A_262 = arith.constant 256 : i32
    %dma_wait3A_263 = arith.constant 0 : i32
    %dma_wait3A_264 = tpu.memref_slice %arg14[%dma_wait3A_262, %dma_wait3A_263] : memref<512x64xf32, #tpu.memory_space<vmem>> -> memref<128x64xf32, #tpu.memory_space<vmem>>
    %dma_wait3A_265 = arith.constant 1280 : i32
    %dma_wait3A_266 = tpu.memref_slice %arg11[%dma_wait3A_265] : memref<2048xi32, #tpu.memory_space<vmem>> -> memref<128xi32, #tpu.memory_space<vmem>>
    %dma_wait3A_267 = arith.constant 0 : i32
    %dma_wait3A_268 = arith.constant 0 : i32
    %dma_wait3A_269 = tpu.memref_slice %arg8[%dma_wait3A_267, %dma_wait3A_268] : memref<100000x64xf32, #tpu.memory_space<hbm>> -> memref<100000x64xf32, #tpu.memory_space<hbm>>
    tpu.wait_indirect_dma semaphore(%arg16 : memref<!tpu.dma_semaphore, #tpu.memory_space<semaphore_mem>>) src(%dma_wait3A_269 : memref<100000x64xf32, #tpu.memory_space<hbm>>) dst(%dma_wait3A_264 : memref<128x64xf32, #tpu.memory_space<vmem>>)
    %dma_wait3A_270 = arith.constant 384 : i32
    %dma_wait3A_271 = arith.constant 0 : i32
    %dma_wait3A_272 = tpu.memref_slice %arg14[%dma_wait3A_270, %dma_wait3A_271] : memref<512x64xf32, #tpu.memory_space<vmem>> -> memref<128x64xf32, #tpu.memory_space<vmem>>
    %dma_wait3A_273 = arith.constant 1408 : i32
    %dma_wait3A_274 = tpu.memref_slice %arg11[%dma_wait3A_273] : memref<2048xi32, #tpu.memory_space<vmem>> -> memref<128xi32, #tpu.memory_space<vmem>>
    %dma_wait3A_275 = arith.constant 0 : i32
    %dma_wait3A_276 = arith.constant 0 : i32
    %dma_wait3A_277 = tpu.memref_slice %arg8[%dma_wait3A_275, %dma_wait3A_276] : memref<100000x64xf32, #tpu.memory_space<hbm>> -> memref<100000x64xf32, #tpu.memory_space<hbm>>
    tpu.wait_indirect_dma semaphore(%arg16 : memref<!tpu.dma_semaphore, #tpu.memory_space<semaphore_mem>>) src(%dma_wait3A_277 : memref<100000x64xf32, #tpu.memory_space<hbm>>) dst(%dma_wait3A_272 : memref<128x64xf32, #tpu.memory_space<vmem>>)
    %scan3A_278 = arith.constant 0 : i32
    %scan3A_279 = arith.constant 0 : i32
    %scan3A_280 = arith.constant 128 : i32
    %scan3A_281 = arith.addi %scan3A_279, %scan3A_280 : i32
    %scan3A_282 = arith.constant 1 : i32
    scf.for %scan3A_324 = %scan3A_279 to %scan3A_281 step %scan3A_282  : i32 {
      %mul3A_325 = arith.constant 4 : i32
      %mul3A_326 = arith.muli %scan3A_324, %mul3A_325 : i32
      %add3A_327 = arith.constant 0 : i32
      %add3A_328 = arith.addi %mul3A_326, %add3A_327 : i32
      %add3A_329 = arith.constant 0 : i32
      %add3A_330 = arith.addi %mul3A_326, %add3A_329 : i32
      %get3A = arith.index_cast %add3A_330 : i32 to index
      %get3A_331 = arith.constant 0 : index
      %get3A_332 = tpu.vector_load %arg14[%get3A, %get3A_331] {strides = array<i32>} : memref<512x64xf32, #tpu.memory_space<vmem>>, vector<1x16xf32>,
      %get3A_333 = vector.shape_cast %get3A_332 : vector<1x16xf32> to vector<16xf32>
      %swap3A = arith.index_cast %add3A_328 : i32 to index
      %swap3A_334 = arith.constant 0 : index
      %swap3A_335 = tpu.vector_load %arg12[%swap3A, %swap3A_334] {strides = array<i32>} : memref<512x64xf32, #tpu.memory_space<vmem>>, vector<1x16xf32>,
      %swap3A_336 = vector.shape_cast %swap3A_335 : vector<1x16xf32> to vector<16xf32>
      %swap3A_337 = vector.shape_cast %get3A_333 : vector<16xf32> to vector<1x16xf32>
      tpu.vector_store %arg12[%swap3A, %swap3A_334], %swap3A_337 {add = true, strides = array<i32>} : memref<512x64xf32, #tpu.memory_space<vmem>>, vector<1x16xf32>,
      %add3A_338 = arith.constant 0 : i32
      %add3A_339 = arith.addi %mul3A_326, %add3A_338 : i32
      %add3A_340 = arith.constant 0 : i32
      %add3A_341 = arith.addi %mul3A_326, %add3A_340 : i32
      %get3A_342 = arith.index_cast %add3A_341 : i32 to index
      %get3A_343 = arith.constant 16 : index
      %get3A_344 = tpu.vector_load %arg14[%get3A_342, %get3A_343] {strides = array<i32>} : memref<512x64xf32, #tpu.memory_space<vmem>>, vector<1x16xf32>,
      %get3A_345 = vector.shape_cast %get3A_344 : vector<1x16xf32> to vector<16xf32>
      %swap3A_346 = arith.index_cast %add3A_339 : i32 to index
      %swap3A_347 = arith.constant 16 : index
      %swap3A_348 = tpu.vector_load %arg12[%swap3A_346, %swap3A_347] {strides = array<i32>} : memref<512x64xf32, #tpu.memory_space<vmem>>, vector<1x16xf32>,
      %swap3A_349 = vector.shape_cast %swap3A_348 : vector<1x16xf32> to vector<16xf32>
      %swap3A_350 = vector.shape_cast %get3A_345 : vector<16xf32> to vector<1x16xf32>
      tpu.vector_store %arg12[%swap3A_346, %swap3A_347], %swap3A_350 {add = true, strides = array<i32>} : memref<512x64xf32, #tpu.memory_space<vmem>>, vector<1x16xf32>,
      %add3A_351 = arith.constant 0 : i32
      %add3A_352 = arith.addi %mul3A_326, %add3A_351 : i32
      %add3A_353 = arith.constant 0 : i32
      %add3A_354 = arith.addi %mul3A_326, %add3A_353 : i32
      %get3A_355 = arith.index_cast %add3A_354 : i32 to index
      %get3A_356 = arith.constant 32 : index
      %get3A_357 = tpu.vector_load %arg14[%get3A_355, %get3A_356] {strides = array<i32>} : memref<512x64xf32, #tpu.memory_space<vmem>>, vector<1x16xf32>,
      %get3A_358 = vector.shape_cast %get3A_357 : vector<1x16xf32> to vector<16xf32>
      %swap3A_359 = arith.index_cast %add3A_352 : i32 to index
      %swap3A_360 = arith.constant 32 : index
      %swap3A_361 = tpu.vector_load %arg12[%swap3A_359, %swap3A_360] {strides = array<i32>} : memref<512x64xf32, #tpu.memory_space<vmem>>, vector<1x16xf32>,
      %swap3A_362 = vector.shape_cast %swap3A_361 : vector<1x16xf32> to vector<16xf32>
      %swap3A_363 = vector.shape_cast %get3A_358 : vector<16xf32> to vector<1x16xf32>
      tpu.vector_store %arg12[%swap3A_359, %swap3A_360], %swap3A_363 {add = true, strides = array<i32>} : memref<512x64xf32, #tpu.memory_space<vmem>>, vector<1x16xf32>,
      %add3A_364 = arith.constant 0 : i32
      %add3A_365 = arith.addi %mul3A_326, %add3A_364 : i32
      %add3A_366 = arith.constant 0 : i32
      %add3A_367 = arith.addi %mul3A_326, %add3A_366 : i32
      %get3A_368 = arith.index_cast %add3A_367 : i32 to index
      %get3A_369 = arith.constant 48 : index
      %get3A_370 = tpu.vector_load %arg14[%get3A_368, %get3A_369] {strides = array<i32>} : memref<512x64xf32, #tpu.memory_space<vmem>>, vector<1x16xf32>,
      %get3A_371 = vector.shape_cast %get3A_370 : vector<1x16xf32> to vector<16xf32>
      %swap3A_372 = arith.index_cast %add3A_365 : i32 to index
      %swap3A_373 = arith.constant 48 : index
      %swap3A_374 = tpu.vector_load %arg12[%swap3A_372, %swap3A_373] {strides = array<i32>} : memref<512x64xf32, #tpu.memory_space<vmem>>, vector<1x16xf32>,
      %swap3A_375 = vector.shape_cast %swap3A_374 : vector<1x16xf32> to vector<16xf32>
      %swap3A_376 = vector.shape_cast %get3A_371 : vector<16xf32> to vector<1x16xf32>
      tpu.vector_store %arg12[%swap3A_372, %swap3A_373], %swap3A_376 {add = true, strides = array<i32>} : memref<512x64xf32, #tpu.memory_space<vmem>>, vector<1x16xf32>,
      %add3A_377 = arith.constant 1 : i32
      %add3A_378 = arith.addi %mul3A_326, %add3A_377 : i32
      %add3A_379 = arith.constant 1 : i32
      %add3A_380 = arith.addi %mul3A_326, %add3A_379 : i32
      %get3A_381 = arith.index_cast %add3A_380 : i32 to index
      %get3A_382 = arith.constant 0 : index
      %get3A_383 = tpu.vector_load %arg14[%get3A_381, %get3A_382] {strides = array<i32>} : memref<512x64xf32, #tpu.memory_space<vmem>>, vector<1x16xf32>,
      %get3A_384 = vector.shape_cast %get3A_383 : vector<1x16xf32> to vector<16xf32>
      %swap3A_385 = arith.index_cast %add3A_378 : i32 to index
      %swap3A_386 = arith.constant 0 : index
      %swap3A_387 = tpu.vector_load %arg12[%swap3A_385, %swap3A_386] {strides = array<i32>} : memref<512x64xf32, #tpu.memory_space<vmem>>, vector<1x16xf32>,
      %swap3A_388 = vector.shape_cast %swap3A_387 : vector<1x16xf32> to vector<16xf32>
      %swap3A_389 = vector.shape_cast %get3A_384 : vector<16xf32> to vector<1x16xf32>
      tpu.vector_store %arg12[%swap3A_385, %swap3A_386], %swap3A_389 {add = true, strides = array<i32>} : memref<512x64xf32, #tpu.memory_space<vmem>>, vector<1x16xf32>,
      %add3A_390 = arith.constant 1 : i32
      %add3A_391 = arith.addi %mul3A_326, %add3A_390 : i32
      %add3A_392 = arith.constant 1 : i32
      %add3A_393 = arith.addi %mul3A_326, %add3A_392 : i32
      %get3A_394 = arith.index_cast %add3A_393 : i32 to index
      %get3A_395 = arith.constant 16 : index
      %get3A_396 = tpu.vector_load %arg14[%get3A_394, %get3A_395] {strides = array<i32>} : memref<512x64xf32, #tpu.memory_space<vmem>>, vector<1x16xf32>,
      %get3A_397 = vector.shape_cast %get3A_396 : vector<1x16xf32> to vector<16xf32>
      %swap3A_398 = arith.index_cast %add3A_391 : i32 to index
      %swap3A_399 = arith.constant 16 : index
      %swap3A_400 = tpu.vector_load %arg12[%swap3A_398, %swap3A_399] {strides = array<i32>} : memref<512x64xf32, #tpu.memory_space<vmem>>, vector<1x16xf32>,
      %swap3A_401 = vector.shape_cast %swap3A_400 : vector<1x16xf32> to vector<16xf32>
      %swap3A_402 = vector.shape_cast %get3A_397 : vector<16xf32> to vector<1x16xf32>
      tpu.vector_store %arg12[%swap3A_398, %swap3A_399], %swap3A_402 {add = true, strides = array<i32>} : memref<512x64xf32, #tpu.memory_space<vmem>>, vector<1x16xf32>,
      %add3A_403 = arith.constant 1 : i32
      %add3A_404 = arith.addi %mul3A_326, %add3A_403 : i32
      %add3A_405 = arith.constant 1 : i32
      %add3A_406 = arith.addi %mul3A_326, %add3A_405 : i32
      %get3A_407 = arith.index_cast %add3A_406 : i32 to index
      %get3A_408 = arith.constant 32 : index
      %get3A_409 = tpu.vector_load %arg14[%get3A_407, %get3A_408] {strides = array<i32>} : memref<512x64xf32, #tpu.memory_space<vmem>>, vector<1x16xf32>,
      %get3A_410 = vector.shape_cast %get3A_409 : vector<1x16xf32> to vector<16xf32>
      %swap3A_411 = arith.index_cast %add3A_404 : i32 to index
      %swap3A_412 = arith.constant 32 : index
      %swap3A_413 = tpu.vector_load %arg12[%swap3A_411, %swap3A_412] {strides = array<i32>} : memref<512x64xf32, #tpu.memory_space<vmem>>, vector<1x16xf32>,
      %swap3A_414 = vector.shape_cast %swap3A_413 : vector<1x16xf32> to vector<16xf32>
      %swap3A_415 = vector.shape_cast %get3A_410 : vector<16xf32> to vector<1x16xf32>
      tpu.vector_store %arg12[%swap3A_411, %swap3A_412], %swap3A_415 {add = true, strides = array<i32>} : memref<512x64xf32, #tpu.memory_space<vmem>>, vector<1x16xf32>,
      %add3A_416 = arith.constant 1 : i32
      %add3A_417 = arith.addi %mul3A_326, %add3A_416 : i32
      %add3A_418 = arith.constant 1 : i32
      %add3A_419 = arith.addi %mul3A_326, %add3A_418 : i32
      %get3A_420 = arith.index_cast %add3A_419 : i32 to index
      %get3A_421 = arith.constant 48 : index
      %get3A_422 = tpu.vector_load %arg14[%get3A_420, %get3A_421] {strides = array<i32>} : memref<512x64xf32, #tpu.memory_space<vmem>>, vector<1x16xf32>,
      %get3A_423 = vector.shape_cast %get3A_422 : vector<1x16xf32> to vector<16xf32>
      %swap3A_424 = arith.index_cast %add3A_417 : i32 to index
      %swap3A_425 = arith.constant 48 : index
      %swap3A_426 = tpu.vector_load %arg12[%swap3A_424, %swap3A_425] {strides = array<i32>} : memref<512x64xf32, #tpu.memory_space<vmem>>, vector<1x16xf32>,
      %swap3A_427 = vector.shape_cast %swap3A_426 : vector<1x16xf32> to vector<16xf32>
      %swap3A_428 = vector.shape_cast %get3A_423 : vector<16xf32> to vector<1x16xf32>
      tpu.vector_store %arg12[%swap3A_424, %swap3A_425], %swap3A_428 {add = true, strides = array<i32>} : memref<512x64xf32, #tpu.memory_space<vmem>>, vector<1x16xf32>,
      %add3A_429 = arith.constant 2 : i32
      %add3A_430 = arith.addi %mul3A_326, %add3A_429 : i32
      %add3A_431 = arith.constant 2 : i32
      %add3A_432 = arith.addi %mul3A_326, %add3A_431 : i32
      %get3A_433 = arith.index_cast %add3A_432 : i32 to index
      %get3A_434 = arith.constant 0 : index
      %get3A_435 = tpu.vector_load %arg14[%get3A_433, %get3A_434] {strides = array<i32>} : memref<512x64xf32, #tpu.memory_space<vmem>>, vector<1x16xf32>,
      %get3A_436 = vector.shape_cast %get3A_435 : vector<1x16xf32> to vector<16xf32>
      %swap3A_437 = arith.index_cast %add3A_430 : i32 to index
      %swap3A_438 = arith.constant 0 : index
      %swap3A_439 = tpu.vector_load %arg12[%swap3A_437, %swap3A_438] {strides = array<i32>} : memref<512x64xf32, #tpu.memory_space<vmem>>, vector<1x16xf32>,
      %swap3A_440 = vector.shape_cast %swap3A_439 : vector<1x16xf32> to vector<16xf32>
      %swap3A_441 = vector.shape_cast %get3A_436 : vector<16xf32> to vector<1x16xf32>
      tpu.vector_store %arg12[%swap3A_437, %swap3A_438], %swap3A_441 {add = true, strides = array<i32>} : memref<512x64xf32, #tpu.memory_space<vmem>>, vector<1x16xf32>,
      %add3A_442 = arith.constant 2 : i32
      %add3A_443 = arith.addi %mul3A_326, %add3A_442 : i32
      %add3A_444 = arith.constant 2 : i32
      %add3A_445 = arith.addi %mul3A_326, %add3A_444 : i32
      %get3A_446 = arith.index_cast %add3A_445 : i32 to index
      %get3A_447 = arith.constant 16 : index
      %get3A_448 = tpu.vector_load %arg14[%get3A_446, %get3A_447] {strides = array<i32>} : memref<512x64xf32, #tpu.memory_space<vmem>>, vector<1x16xf32>,
      %get3A_449 = vector.shape_cast %get3A_448 : vector<1x16xf32> to vector<16xf32>
      %swap3A_450 = arith.index_cast %add3A_443 : i32 to index
      %swap3A_451 = arith.constant 16 : index
      %swap3A_452 = tpu.vector_load %arg12[%swap3A_450, %swap3A_451] {strides = array<i32>} : memref<512x64xf32, #tpu.memory_space<vmem>>, vector<1x16xf32>,
      %swap3A_453 = vector.shape_cast %swap3A_452 : vector<1x16xf32> to vector<16xf32>
      %swap3A_454 = vector.shape_cast %get3A_449 : vector<16xf32> to vector<1x16xf32>
      tpu.vector_store %arg12[%swap3A_450, %swap3A_451], %swap3A_454 {add = true, strides = array<i32>} : memref<512x64xf32, #tpu.memory_space<vmem>>, vector<1x16xf32>,
      %add3A_455 = arith.constant 2 : i32
      %add3A_456 = arith.addi %mul3A_326, %add3A_455 : i32
      %add3A_457 = arith.constant 2 : i32
      %add3A_458 = arith.addi %mul3A_326, %add3A_457 : i32
      %get3A_459 = arith.index_cast %add3A_458 : i32 to index
      %get3A_460 = arith.constant 32 : index
      %get3A_461 = tpu.vector_load %arg14[%get3A_459, %get3A_460] {strides = array<i32>} : memref<512x64xf32, #tpu.memory_space<vmem>>, vector<1x16xf32>,
      %get3A_462 = vector.shape_cast %get3A_461 : vector<1x16xf32> to vector<16xf32>
      %swap3A_463 = arith.index_cast %add3A_456 : i32 to index
      %swap3A_464 = arith.constant 32 : index
      %swap3A_465 = tpu.vector_load %arg12[%swap3A_463, %swap3A_464] {strides = array<i32>} : memref<512x64xf32, #tpu.memory_space<vmem>>, vector<1x16xf32>,
      %swap3A_466 = vector.shape_cast %swap3A_465 : vector<1x16xf32> to vector<16xf32>
      %swap3A_467 = vector.shape_cast %get3A_462 : vector<16xf32> to vector<1x16xf32>
      tpu.vector_store %arg12[%swap3A_463, %swap3A_464], %swap3A_467 {add = true, strides = array<i32>} : memref<512x64xf32, #tpu.memory_space<vmem>>, vector<1x16xf32>,
      %add3A_468 = arith.constant 2 : i32
      %add3A_469 = arith.addi %mul3A_326, %add3A_468 : i32
      %add3A_470 = arith.constant 2 : i32
      %add3A_471 = arith.addi %mul3A_326, %add3A_470 : i32
      %get3A_472 = arith.index_cast %add3A_471 : i32 to index
      %get3A_473 = arith.constant 48 : index
      %get3A_474 = tpu.vector_load %arg14[%get3A_472, %get3A_473] {strides = array<i32>} : memref<512x64xf32, #tpu.memory_space<vmem>>, vector<1x16xf32>,
      %get3A_475 = vector.shape_cast %get3A_474 : vector<1x16xf32> to vector<16xf32>
      %swap3A_476 = arith.index_cast %add3A_469 : i32 to index
      %swap3A_477 = arith.constant 48 : index
      %swap3A_478 = tpu.vector_load %arg12[%swap3A_476, %swap3A_477] {strides = array<i32>} : memref<512x64xf32, #tpu.memory_space<vmem>>, vector<1x16xf32>,
      %swap3A_479 = vector.shape_cast %swap3A_478 : vector<1x16xf32> to vector<16xf32>
      %swap3A_480 = vector.shape_cast %get3A_475 : vector<16xf32> to vector<1x16xf32>
      tpu.vector_store %arg12[%swap3A_476, %swap3A_477], %swap3A_480 {add = true, strides = array<i32>} : memref<512x64xf32, #tpu.memory_space<vmem>>, vector<1x16xf32>,
      %add3A_481 = arith.constant 3 : i32
      %add3A_482 = arith.addi %mul3A_326, %add3A_481 : i32
      %add3A_483 = arith.constant 3 : i32
      %add3A_484 = arith.addi %mul3A_326, %add3A_483 : i32
      %get3A_485 = arith.index_cast %add3A_484 : i32 to index
      %get3A_486 = arith.constant 0 : index
      %get3A_487 = tpu.vector_load %arg14[%get3A_485, %get3A_486] {strides = array<i32>} : memref<512x64xf32, #tpu.memory_space<vmem>>, vector<1x16xf32>,
      %get3A_488 = vector.shape_cast %get3A_487 : vector<1x16xf32> to vector<16xf32>
      %swap3A_489 = arith.index_cast %add3A_482 : i32 to index
      %swap3A_490 = arith.constant 0 : index
      %swap3A_491 = tpu.vector_load %arg12[%swap3A_489, %swap3A_490] {strides = array<i32>} : memref<512x64xf32, #tpu.memory_space<vmem>>, vector<1x16xf32>,
      %swap3A_492 = vector.shape_cast %swap3A_491 : vector<1x16xf32> to vector<16xf32>
      %swap3A_493 = vector.shape_cast %get3A_488 : vector<16xf32> to vector<1x16xf32>
      tpu.vector_store %arg12[%swap3A_489, %swap3A_490], %swap3A_493 {add = true, strides = array<i32>} : memref<512x64xf32, #tpu.memory_space<vmem>>, vector<1x16xf32>,
      %add3A_494 = arith.constant 3 : i32
      %add3A_495 = arith.addi %mul3A_326, %add3A_494 : i32
      %add3A_496 = arith.constant 3 : i32
      %add3A_497 = arith.addi %mul3A_326, %add3A_496 : i32
      %get3A_498 = arith.index_cast %add3A_497 : i32 to index
      %get3A_499 = arith.constant 16 : index
      %get3A_500 = tpu.vector_load %arg14[%get3A_498, %get3A_499] {strides = array<i32>} : memref<512x64xf32, #tpu.memory_space<vmem>>, vector<1x16xf32>,
      %get3A_501 = vector.shape_cast %get3A_500 : vector<1x16xf32> to vector<16xf32>
      %swap3A_502 = arith.index_cast %add3A_495 : i32 to index
      %swap3A_503 = arith.constant 16 : index
      %swap3A_504 = tpu.vector_load %arg12[%swap3A_502, %swap3A_503] {strides = array<i32>} : memref<512x64xf32, #tpu.memory_space<vmem>>, vector<1x16xf32>,
      %swap3A_505 = vector.shape_cast %swap3A_504 : vector<1x16xf32> to vector<16xf32>
      %swap3A_506 = vector.shape_cast %get3A_501 : vector<16xf32> to vector<1x16xf32>
      tpu.vector_store %arg12[%swap3A_502, %swap3A_503], %swap3A_506 {add = true, strides = array<i32>} : memref<512x64xf32, #tpu.memory_space<vmem>>, vector<1x16xf32>,
      %add3A_507 = arith.constant 3 : i32
      %add3A_508 = arith.addi %mul3A_326, %add3A_507 : i32
      %add3A_509 = arith.constant 3 : i32
      %add3A_510 = arith.addi %mul3A_326, %add3A_509 : i32
      %get3A_511 = arith.index_cast %add3A_510 : i32 to index
      %get3A_512 = arith.constant 32 : index
      %get3A_513 = tpu.vector_load %arg14[%get3A_511, %get3A_512] {strides = array<i32>} : memref<512x64xf32, #tpu.memory_space<vmem>>, vector<1x16xf32>,
      %get3A_514 = vector.shape_cast %get3A_513 : vector<1x16xf32> to vector<16xf32>
      %swap3A_515 = arith.index_cast %add3A_508 : i32 to index
      %swap3A_516 = arith.constant 32 : index
      %swap3A_517 = tpu.vector_load %arg12[%swap3A_515, %swap3A_516] {strides = array<i32>} : memref<512x64xf32, #tpu.memory_space<vmem>>, vector<1x16xf32>,
      %swap3A_518 = vector.shape_cast %swap3A_517 : vector<1x16xf32> to vector<16xf32>
      %swap3A_519 = vector.shape_cast %get3A_514 : vector<16xf32> to vector<1x16xf32>
      tpu.vector_store %arg12[%swap3A_515, %swap3A_516], %swap3A_519 {add = true, strides = array<i32>} : memref<512x64xf32, #tpu.memory_space<vmem>>, vector<1x16xf32>,
      %add3A_520 = arith.constant 3 : i32
      %add3A_521 = arith.addi %mul3A_326, %add3A_520 : i32
      %add3A_522 = arith.constant 3 : i32
      %add3A_523 = arith.addi %mul3A_326, %add3A_522 : i32
      %get3A_524 = arith.index_cast %add3A_523 : i32 to index
      %get3A_525 = arith.constant 48 : index
      %get3A_526 = tpu.vector_load %arg14[%get3A_524, %get3A_525] {strides = array<i32>} : memref<512x64xf32, #tpu.memory_space<vmem>>, vector<1x16xf32>,
      %get3A_527 = vector.shape_cast %get3A_526 : vector<1x16xf32> to vector<16xf32>
      %swap3A_528 = arith.index_cast %add3A_521 : i32 to index
      %swap3A_529 = arith.constant 48 : index
      %swap3A_530 = tpu.vector_load %arg12[%swap3A_528, %swap3A_529] {strides = array<i32>} : memref<512x64xf32, #tpu.memory_space<vmem>>, vector<1x16xf32>,
      %swap3A_531 = vector.shape_cast %swap3A_530 : vector<1x16xf32> to vector<16xf32>
      %swap3A_532 = vector.shape_cast %get3A_527 : vector<16xf32> to vector<1x16xf32>
      tpu.vector_store %arg12[%swap3A_528, %swap3A_529], %swap3A_532 {add = true, strides = array<i32>} : memref<512x64xf32, #tpu.memory_space<vmem>>, vector<1x16xf32>,
    }
    %scan3A_283 = arith.constant 128 : i32
    %dma_wait3A_284 = arith.constant 0 : i32
    %dma_wait3A_285 = arith.constant 0 : i32
    %dma_wait3A_286 = tpu.memref_slice %arg13[%dma_wait3A_284, %dma_wait3A_285] : memref<512x64xf32, #tpu.memory_space<vmem>> -> memref<128x64xf32, #tpu.memory_space<vmem>>
    %dma_wait3A_287 = arith.constant 1536 : i32
    %dma_wait3A_288 = tpu.memref_slice %arg11[%dma_wait3A_287] : memref<2048xi32, #tpu.memory_space<vmem>> -> memref<128xi32, #tpu.memory_space<vmem>>
    %dma_wait3A_289 = arith.constant 0 : i32
    %dma_wait3A_290 = arith.constant 0 : i32
    %dma_wait3A_291 = tpu.memref_slice %arg9[%dma_wait3A_289, %dma_wait3A_290] : memref<100000x64xf32, #tpu.memory_space<hbm>> -> memref<100000x64xf32, #tpu.memory_space<hbm>>
    tpu.wait_indirect_dma semaphore(%arg17 : memref<!tpu.dma_semaphore, #tpu.memory_space<semaphore_mem>>) src(%dma_wait3A_291 : memref<100000x64xf32, #tpu.memory_space<hbm>>) dst(%dma_wait3A_286 : memref<128x64xf32, #tpu.memory_space<vmem>>)
    %dma_wait3A_292 = arith.constant 128 : i32
    %dma_wait3A_293 = arith.constant 0 : i32
    %dma_wait3A_294 = tpu.memref_slice %arg13[%dma_wait3A_292, %dma_wait3A_293] : memref<512x64xf32, #tpu.memory_space<vmem>> -> memref<128x64xf32, #tpu.memory_space<vmem>>
    %dma_wait3A_295 = arith.constant 1664 : i32
    %dma_wait3A_296 = tpu.memref_slice %arg11[%dma_wait3A_295] : memref<2048xi32, #tpu.memory_space<vmem>> -> memref<128xi32, #tpu.memory_space<vmem>>
    %dma_wait3A_297 = arith.constant 0 : i32
    %dma_wait3A_298 = arith.constant 0 : i32
    %dma_wait3A_299 = tpu.memref_slice %arg9[%dma_wait3A_297, %dma_wait3A_298] : memref<100000x64xf32, #tpu.memory_space<hbm>> -> memref<100000x64xf32, #tpu.memory_space<hbm>>
    tpu.wait_indirect_dma semaphore(%arg17 : memref<!tpu.dma_semaphore, #tpu.memory_space<semaphore_mem>>) src(%dma_wait3A_299 : memref<100000x64xf32, #tpu.memory_space<hbm>>) dst(%dma_wait3A_294 : memref<128x64xf32, #tpu.memory_space<vmem>>)
    %dma_wait3A_300 = arith.constant 256 : i32
    %dma_wait3A_301 = arith.constant 0 : i32
    %dma_wait3A_302 = tpu.memref_slice %arg13[%dma_wait3A_300, %dma_wait3A_301] : memref<512x64xf32, #tpu.memory_space<vmem>> -> memref<128x64xf32, #tpu.memory_space<vmem>>
    %dma_wait3A_303 = arith.constant 1792 : i32
    %dma_wait3A_304 = tpu.memref_slice %arg11[%dma_wait3A_303] : memref<2048xi32, #tpu.memory_space<vmem>> -> memref<128xi32, #tpu.memory_space<vmem>>
    %dma_wait3A_305 = arith.constant 0 : i32
    %dma_wait3A_306 = arith.constant 0 : i32
    %dma_wait3A_307 = tpu.memref_slice %arg9[%dma_wait3A_305, %dma_wait3A_306] : memref<100000x64xf32, #tpu.memory_space<hbm>> -> memref<100000x64xf32, #tpu.memory_space<hbm>>
    tpu.wait_indirect_dma semaphore(%arg17 : memref<!tpu.dma_semaphore, #tpu.memory_space<semaphore_mem>>) src(%dma_wait3A_307 : memref<100000x64xf32, #tpu.memory_space<hbm>>) dst(%dma_wait3A_302 : memref<128x64xf32, #tpu.memory_space<vmem>>)
    %dma_wait3A_308 = arith.constant 384 : i32
    %dma_wait3A_309 = arith.constant 0 : i32
    %dma_wait3A_310 = tpu.memref_slice %arg13[%dma_wait3A_308, %dma_wait3A_309] : memref<512x64xf32, #tpu.memory_space<vmem>> -> memref<128x64xf32, #tpu.memory_space<vmem>>
    %dma_wait3A_311 = arith.constant 1920 : i32
    %dma_wait3A_312 = tpu.memref_slice %arg11[%dma_wait3A_311] : memref<2048xi32, #tpu.memory_space<vmem>> -> memref<128xi32, #tpu.memory_space<vmem>>
    %dma_wait3A_313 = arith.constant 0 : i32
    %dma_wait3A_314 = arith.constant 0 : i32
    %dma_wait3A_315 = tpu.memref_slice %arg9[%dma_wait3A_313, %dma_wait3A_314] : memref<100000x64xf32, #tpu.memory_space<hbm>> -> memref<100000x64xf32, #tpu.memory_space<hbm>>
    tpu.wait_indirect_dma semaphore(%arg17 : memref<!tpu.dma_semaphore, #tpu.memory_space<semaphore_mem>>) src(%dma_wait3A_315 : memref<100000x64xf32, #tpu.memory_space<hbm>>) dst(%dma_wait3A_310 : memref<128x64xf32, #tpu.memory_space<vmem>>)
    %scan3A_316 = arith.constant 0 : i32
    %scan3A_317 = arith.constant 0 : i32
    %scan3A_318 = arith.constant 128 : i32
    %scan3A_319 = arith.addi %scan3A_317, %scan3A_318 : i32
    %scan3A_320 = arith.constant 1 : i32
    scf.for %scan3A_324 = %scan3A_317 to %scan3A_319 step %scan3A_320  : i32 {
      %mul3A_325 = arith.constant 4 : i32
      %mul3A_326 = arith.muli %scan3A_324, %mul3A_325 : i32
      %add3A_327 = arith.constant 0 : i32
      %add3A_328 = arith.addi %mul3A_326, %add3A_327 : i32
      %add3A_329 = arith.constant 0 : i32
      %add3A_330 = arith.addi %mul3A_326, %add3A_329 : i32
      %get3A = arith.index_cast %add3A_330 : i32 to index
      %get3A_331 = arith.constant 0 : index
      %get3A_332 = tpu.vector_load %arg13[%get3A, %get3A_331] {strides = array<i32>} : memref<512x64xf32, #tpu.memory_space<vmem>>, vector<1x16xf32>,
      %get3A_333 = vector.shape_cast %get3A_332 : vector<1x16xf32> to vector<16xf32>
      %swap3A = arith.index_cast %add3A_328 : i32 to index
      %swap3A_334 = arith.constant 0 : index
      %swap3A_335 = tpu.vector_load %arg12[%swap3A, %swap3A_334] {strides = array<i32>} : memref<512x64xf32, #tpu.memory_space<vmem>>, vector<1x16xf32>,
      %swap3A_336 = vector.shape_cast %swap3A_335 : vector<1x16xf32> to vector<16xf32>
      %swap3A_337 = vector.shape_cast %get3A_333 : vector<16xf32> to vector<1x16xf32>
      tpu.vector_store %arg12[%swap3A, %swap3A_334], %swap3A_337 {add = true, strides = array<i32>} : memref<512x64xf32, #tpu.memory_space<vmem>>, vector<1x16xf32>,
      %add3A_338 = arith.constant 0 : i32
      %add3A_339 = arith.addi %mul3A_326, %add3A_338 : i32
      %add3A_340 = arith.constant 0 : i32
      %add3A_341 = arith.addi %mul3A_326, %add3A_340 : i32
      %get3A_342 = arith.index_cast %add3A_341 : i32 to index
      %get3A_343 = arith.constant 16 : index
      %get3A_344 = tpu.vector_load %arg13[%get3A_342, %get3A_343] {strides = array<i32>} : memref<512x64xf32, #tpu.memory_space<vmem>>, vector<1x16xf32>,
      %get3A_345 = vector.shape_cast %get3A_344 : vector<1x16xf32> to vector<16xf32>
      %swap3A_346 = arith.index_cast %add3A_339 : i32 to index
      %swap3A_347 = arith.constant 16 : index
      %swap3A_348 = tpu.vector_load %arg12[%swap3A_346, %swap3A_347] {strides = array<i32>} : memref<512x64xf32, #tpu.memory_space<vmem>>, vector<1x16xf32>,
      %swap3A_349 = vector.shape_cast %swap3A_348 : vector<1x16xf32> to vector<16xf32>
      %swap3A_350 = vector.shape_cast %get3A_345 : vector<16xf32> to vector<1x16xf32>
      tpu.vector_store %arg12[%swap3A_346, %swap3A_347], %swap3A_350 {add = true, strides = array<i32>} : memref<512x64xf32, #tpu.memory_space<vmem>>, vector<1x16xf32>,
      %add3A_351 = arith.constant 0 : i32
      %add3A_352 = arith.addi %mul3A_326, %add3A_351 : i32
      %add3A_353 = arith.constant 0 : i32
      %add3A_354 = arith.addi %mul3A_326, %add3A_353 : i32
      %get3A_355 = arith.index_cast %add3A_354 : i32 to index
      %get3A_356 = arith.constant 32 : index
      %get3A_357 = tpu.vector_load %arg13[%get3A_355, %get3A_356] {strides = array<i32>} : memref<512x64xf32, #tpu.memory_space<vmem>>, vector<1x16xf32>,
      %get3A_358 = vector.shape_cast %get3A_357 : vector<1x16xf32> to vector<16xf32>
      %swap3A_359 = arith.index_cast %add3A_352 : i32 to index
      %swap3A_360 = arith.constant 32 : index
      %swap3A_361 = tpu.vector_load %arg12[%swap3A_359, %swap3A_360] {strides = array<i32>} : memref<512x64xf32, #tpu.memory_space<vmem>>, vector<1x16xf32>,
      %swap3A_362 = vector.shape_cast %swap3A_361 : vector<1x16xf32> to vector<16xf32>
      %swap3A_363 = vector.shape_cast %get3A_358 : vector<16xf32> to vector<1x16xf32>
      tpu.vector_store %arg12[%swap3A_359, %swap3A_360], %swap3A_363 {add = true, strides = array<i32>} : memref<512x64xf32, #tpu.memory_space<vmem>>, vector<1x16xf32>,
      %add3A_364 = arith.constant 0 : i32
      %add3A_365 = arith.addi %mul3A_326, %add3A_364 : i32
      %add3A_366 = arith.constant 0 : i32
      %add3A_367 = arith.addi %mul3A_326, %add3A_366 : i32
      %get3A_368 = arith.index_cast %add3A_367 : i32 to index
      %get3A_369 = arith.constant 48 : index
      %get3A_370 = tpu.vector_load %arg13[%get3A_368, %get3A_369] {strides = array<i32>} : memref<512x64xf32, #tpu.memory_space<vmem>>, vector<1x16xf32>,
      %get3A_371 = vector.shape_cast %get3A_370 : vector<1x16xf32> to vector<16xf32>
      %swap3A_372 = arith.index_cast %add3A_365 : i32 to index
      %swap3A_373 = arith.constant 48 : index
      %swap3A_374 = tpu.vector_load %arg12[%swap3A_372, %swap3A_373] {strides = array<i32>} : memref<512x64xf32, #tpu.memory_space<vmem>>, vector<1x16xf32>,
      %swap3A_375 = vector.shape_cast %swap3A_374 : vector<1x16xf32> to vector<16xf32>
      %swap3A_376 = vector.shape_cast %get3A_371 : vector<16xf32> to vector<1x16xf32>
      tpu.vector_store %arg12[%swap3A_372, %swap3A_373], %swap3A_376 {add = true, strides = array<i32>} : memref<512x64xf32, #tpu.memory_space<vmem>>, vector<1x16xf32>,
      %add3A_377 = arith.constant 1 : i32
      %add3A_378 = arith.addi %mul3A_326, %add3A_377 : i32
      %add3A_379 = arith.constant 1 : i32
      %add3A_380 = arith.addi %mul3A_326, %add3A_379 : i32
      %get3A_381 = arith.index_cast %add3A_380 : i32 to index
      %get3A_382 = arith.constant 0 : index
      %get3A_383 = tpu.vector_load %arg13[%get3A_381, %get3A_382] {strides = array<i32>} : memref<512x64xf32, #tpu.memory_space<vmem>>, vector<1x16xf32>,
      %get3A_384 = vector.shape_cast %get3A_383 : vector<1x16xf32> to vector<16xf32>
      %swap3A_385 = arith.index_cast %add3A_378 : i32 to index
      %swap3A_386 = arith.constant 0 : index
      %swap3A_387 = tpu.vector_load %arg12[%swap3A_385, %swap3A_386] {strides = array<i32>} : memref<512x64xf32, #tpu.memory_space<vmem>>, vector<1x16xf32>,
      %swap3A_388 = vector.shape_cast %swap3A_387 : vector<1x16xf32> to vector<16xf32>
      %swap3A_389 = vector.shape_cast %get3A_384 : vector<16xf32> to vector<1x16xf32>
      tpu.vector_store %arg12[%swap3A_385, %swap3A_386], %swap3A_389 {add = true, strides = array<i32>} : memref<512x64xf32, #tpu.memory_space<vmem>>, vector<1x16xf32>,
      %add3A_390 = arith.constant 1 : i32
      %add3A_391 = arith.addi %mul3A_326, %add3A_390 : i32
      %add3A_392 = arith.constant 1 : i32
      %add3A_393 = arith.addi %mul3A_326, %add3A_392 : i32
      %get3A_394 = arith.index_cast %add3A_393 : i32 to index
      %get3A_395 = arith.constant 16 : index
      %get3A_396 = tpu.vector_load %arg13[%get3A_394, %get3A_395] {strides = array<i32>} : memref<512x64xf32, #tpu.memory_space<vmem>>, vector<1x16xf32>,
      %get3A_397 = vector.shape_cast %get3A_396 : vector<1x16xf32> to vector<16xf32>
      %swap3A_398 = arith.index_cast %add3A_391 : i32 to index
      %swap3A_399 = arith.constant 16 : index
      %swap3A_400 = tpu.vector_load %arg12[%swap3A_398, %swap3A_399] {strides = array<i32>} : memref<512x64xf32, #tpu.memory_space<vmem>>, vector<1x16xf32>,
      %swap3A_401 = vector.shape_cast %swap3A_400 : vector<1x16xf32> to vector<16xf32>
      %swap3A_402 = vector.shape_cast %get3A_397 : vector<16xf32> to vector<1x16xf32>
      tpu.vector_store %arg12[%swap3A_398, %swap3A_399], %swap3A_402 {add = true, strides = array<i32>} : memref<512x64xf32, #tpu.memory_space<vmem>>, vector<1x16xf32>,
      %add3A_403 = arith.constant 1 : i32
      %add3A_404 = arith.addi %mul3A_326, %add3A_403 : i32
      %add3A_405 = arith.constant 1 : i32
      %add3A_406 = arith.addi %mul3A_326, %add3A_405 : i32
      %get3A_407 = arith.index_cast %add3A_406 : i32 to index
      %get3A_408 = arith.constant 32 : index
      %get3A_409 = tpu.vector_load %arg13[%get3A_407, %get3A_408] {strides = array<i32>} : memref<512x64xf32, #tpu.memory_space<vmem>>, vector<1x16xf32>,
      %get3A_410 = vector.shape_cast %get3A_409 : vector<1x16xf32> to vector<16xf32>
      %swap3A_411 = arith.index_cast %add3A_404 : i32 to index
      %swap3A_412 = arith.constant 32 : index
      %swap3A_413 = tpu.vector_load %arg12[%swap3A_411, %swap3A_412] {strides = array<i32>} : memref<512x64xf32, #tpu.memory_space<vmem>>, vector<1x16xf32>,
      %swap3A_414 = vector.shape_cast %swap3A_413 : vector<1x16xf32> to vector<16xf32>
      %swap3A_415 = vector.shape_cast %get3A_410 : vector<16xf32> to vector<1x16xf32>
      tpu.vector_store %arg12[%swap3A_411, %swap3A_412], %swap3A_415 {add = true, strides = array<i32>} : memref<512x64xf32, #tpu.memory_space<vmem>>, vector<1x16xf32>,
      %add3A_416 = arith.constant 1 : i32
      %add3A_417 = arith.addi %mul3A_326, %add3A_416 : i32
      %add3A_418 = arith.constant 1 : i32
      %add3A_419 = arith.addi %mul3A_326, %add3A_418 : i32
      %get3A_420 = arith.index_cast %add3A_419 : i32 to index
      %get3A_421 = arith.constant 48 : index
      %get3A_422 = tpu.vector_load %arg13[%get3A_420, %get3A_421] {strides = array<i32>} : memref<512x64xf32, #tpu.memory_space<vmem>>, vector<1x16xf32>,
      %get3A_423 = vector.shape_cast %get3A_422 : vector<1x16xf32> to vector<16xf32>
      %swap3A_424 = arith.index_cast %add3A_417 : i32 to index
      %swap3A_425 = arith.constant 48 : index
      %swap3A_426 = tpu.vector_load %arg12[%swap3A_424, %swap3A_425] {strides = array<i32>} : memref<512x64xf32, #tpu.memory_space<vmem>>, vector<1x16xf32>,
      %swap3A_427 = vector.shape_cast %swap3A_426 : vector<1x16xf32> to vector<16xf32>
      %swap3A_428 = vector.shape_cast %get3A_423 : vector<16xf32> to vector<1x16xf32>
      tpu.vector_store %arg12[%swap3A_424, %swap3A_425], %swap3A_428 {add = true, strides = array<i32>} : memref<512x64xf32, #tpu.memory_space<vmem>>, vector<1x16xf32>,
      %add3A_429 = arith.constant 2 : i32
      %add3A_430 = arith.addi %mul3A_326, %add3A_429 : i32
      %add3A_431 = arith.constant 2 : i32
      %add3A_432 = arith.addi %mul3A_326, %add3A_431 : i32
      %get3A_433 = arith.index_cast %add3A_432 : i32 to index
      %get3A_434 = arith.constant 0 : index
      %get3A_435 = tpu.vector_load %arg13[%get3A_433, %get3A_434] {strides = array<i32>} : memref<512x64xf32, #tpu.memory_space<vmem>>, vector<1x16xf32>,
      %get3A_436 = vector.shape_cast %get3A_435 : vector<1x16xf32> to vector<16xf32>
      %swap3A_437 = arith.index_cast %add3A_430 : i32 to index
      %swap3A_438 = arith.constant 0 : index
      %swap3A_439 = tpu.vector_load %arg12[%swap3A_437, %swap3A_438] {strides = array<i32>} : memref<512x64xf32, #tpu.memory_space<vmem>>, vector<1x16xf32>,
      %swap3A_440 = vector.shape_cast %swap3A_439 : vector<1x16xf32> to vector<16xf32>
      %swap3A_441 = vector.shape_cast %get3A_436 : vector<16xf32> to vector<1x16xf32>
      tpu.vector_store %arg12[%swap3A_437, %swap3A_438], %swap3A_441 {add = true, strides = array<i32>} : memref<512x64xf32, #tpu.memory_space<vmem>>, vector<1x16xf32>,
      %add3A_442 = arith.constant 2 : i32
      %add3A_443 = arith.addi %mul3A_326, %add3A_442 : i32
      %add3A_444 = arith.constant 2 : i32
      %add3A_445 = arith.addi %mul3A_326, %add3A_444 : i32
      %get3A_446 = arith.index_cast %add3A_445 : i32 to index
      %get3A_447 = arith.constant 16 : index
      %get3A_448 = tpu.vector_load %arg13[%get3A_446, %get3A_447] {strides = array<i32>} : memref<512x64xf32, #tpu.memory_space<vmem>>, vector<1x16xf32>,
      %get3A_449 = vector.shape_cast %get3A_448 : vector<1x16xf32> to vector<16xf32>
      %swap3A_450 = arith.index_cast %add3A_443 : i32 to index
      %swap3A_451 = arith.constant 16 : index
      %swap3A_452 = tpu.vector_load %arg12[%swap3A_450, %swap3A_451] {strides = array<i32>} : memref<512x64xf32, #tpu.memory_space<vmem>>, vector<1x16xf32>,
      %swap3A_453 = vector.shape_cast %swap3A_452 : vector<1x16xf32> to vector<16xf32>
      %swap3A_454 = vector.shape_cast %get3A_449 : vector<16xf32> to vector<1x16xf32>
      tpu.vector_store %arg12[%swap3A_450, %swap3A_451], %swap3A_454 {add = true, strides = array<i32>} : memref<512x64xf32, #tpu.memory_space<vmem>>, vector<1x16xf32>,
      %add3A_455 = arith.constant 2 : i32
      %add3A_456 = arith.addi %mul3A_326, %add3A_455 : i32
      %add3A_457 = arith.constant 2 : i32
      %add3A_458 = arith.addi %mul3A_326, %add3A_457 : i32
      %get3A_459 = arith.index_cast %add3A_458 : i32 to index
      %get3A_460 = arith.constant 32 : index
      %get3A_461 = tpu.vector_load %arg13[%get3A_459, %get3A_460] {strides = array<i32>} : memref<512x64xf32, #tpu.memory_space<vmem>>, vector<1x16xf32>,
      %get3A_462 = vector.shape_cast %get3A_461 : vector<1x16xf32> to vector<16xf32>
      %swap3A_463 = arith.index_cast %add3A_456 : i32 to index
      %swap3A_464 = arith.constant 32 : index
      %swap3A_465 = tpu.vector_load %arg12[%swap3A_463, %swap3A_464] {strides = array<i32>} : memref<512x64xf32, #tpu.memory_space<vmem>>, vector<1x16xf32>,
      %swap3A_466 = vector.shape_cast %swap3A_465 : vector<1x16xf32> to vector<16xf32>
      %swap3A_467 = vector.shape_cast %get3A_462 : vector<16xf32> to vector<1x16xf32>
      tpu.vector_store %arg12[%swap3A_463, %swap3A_464], %swap3A_467 {add = true, strides = array<i32>} : memref<512x64xf32, #tpu.memory_space<vmem>>, vector<1x16xf32>,
      %add3A_468 = arith.constant 2 : i32
      %add3A_469 = arith.addi %mul3A_326, %add3A_468 : i32
      %add3A_470 = arith.constant 2 : i32
      %add3A_471 = arith.addi %mul3A_326, %add3A_470 : i32
      %get3A_472 = arith.index_cast %add3A_471 : i32 to index
      %get3A_473 = arith.constant 48 : index
      %get3A_474 = tpu.vector_load %arg13[%get3A_472, %get3A_473] {strides = array<i32>} : memref<512x64xf32, #tpu.memory_space<vmem>>, vector<1x16xf32>,
      %get3A_475 = vector.shape_cast %get3A_474 : vector<1x16xf32> to vector<16xf32>
      %swap3A_476 = arith.index_cast %add3A_469 : i32 to index
      %swap3A_477 = arith.constant 48 : index
      %swap3A_478 = tpu.vector_load %arg12[%swap3A_476, %swap3A_477] {strides = array<i32>} : memref<512x64xf32, #tpu.memory_space<vmem>>, vector<1x16xf32>,
      %swap3A_479 = vector.shape_cast %swap3A_478 : vector<1x16xf32> to vector<16xf32>
      %swap3A_480 = vector.shape_cast %get3A_475 : vector<16xf32> to vector<1x16xf32>
      tpu.vector_store %arg12[%swap3A_476, %swap3A_477], %swap3A_480 {add = true, strides = array<i32>} : memref<512x64xf32, #tpu.memory_space<vmem>>, vector<1x16xf32>,
      %add3A_481 = arith.constant 3 : i32
      %add3A_482 = arith.addi %mul3A_326, %add3A_481 : i32
      %add3A_483 = arith.constant 3 : i32
      %add3A_484 = arith.addi %mul3A_326, %add3A_483 : i32
      %get3A_485 = arith.index_cast %add3A_484 : i32 to index
      %get3A_486 = arith.constant 0 : index
      %get3A_487 = tpu.vector_load %arg13[%get3A_485, %get3A_486] {strides = array<i32>} : memref<512x64xf32, #tpu.memory_space<vmem>>, vector<1x16xf32>,
      %get3A_488 = vector.shape_cast %get3A_487 : vector<1x16xf32> to vector<16xf32>
      %swap3A_489 = arith.index_cast %add3A_482 : i32 to index
      %swap3A_490 = arith.constant 0 : index
      %swap3A_491 = tpu.vector_load %arg12[%swap3A_489, %swap3A_490] {strides = array<i32>} : memref<512x64xf32, #tpu.memory_space<vmem>>, vector<1x16xf32>,
      %swap3A_492 = vector.shape_cast %swap3A_491 : vector<1x16xf32> to vector<16xf32>
      %swap3A_493 = vector.shape_cast %get3A_488 : vector<16xf32> to vector<1x16xf32>
      tpu.vector_store %arg12[%swap3A_489, %swap3A_490], %swap3A_493 {add = true, strides = array<i32>} : memref<512x64xf32, #tpu.memory_space<vmem>>, vector<1x16xf32>,
      %add3A_494 = arith.constant 3 : i32
      %add3A_495 = arith.addi %mul3A_326, %add3A_494 : i32
      %add3A_496 = arith.constant 3 : i32
      %add3A_497 = arith.addi %mul3A_326, %add3A_496 : i32
      %get3A_498 = arith.index_cast %add3A_497 : i32 to index
      %get3A_499 = arith.constant 16 : index
      %get3A_500 = tpu.vector_load %arg13[%get3A_498, %get3A_499] {strides = array<i32>} : memref<512x64xf32, #tpu.memory_space<vmem>>, vector<1x16xf32>,
      %get3A_501 = vector.shape_cast %get3A_500 : vector<1x16xf32> to vector<16xf32>
      %swap3A_502 = arith.index_cast %add3A_495 : i32 to index
      %swap3A_503 = arith.constant 16 : index
      %swap3A_504 = tpu.vector_load %arg12[%swap3A_502, %swap3A_503] {strides = array<i32>} : memref<512x64xf32, #tpu.memory_space<vmem>>, vector<1x16xf32>,
      %swap3A_505 = vector.shape_cast %swap3A_504 : vector<1x16xf32> to vector<16xf32>
      %swap3A_506 = vector.shape_cast %get3A_501 : vector<16xf32> to vector<1x16xf32>
      tpu.vector_store %arg12[%swap3A_502, %swap3A_503], %swap3A_506 {add = true, strides = array<i32>} : memref<512x64xf32, #tpu.memory_space<vmem>>, vector<1x16xf32>,
      %add3A_507 = arith.constant 3 : i32
      %add3A_508 = arith.addi %mul3A_326, %add3A_507 : i32
      %add3A_509 = arith.constant 3 : i32
      %add3A_510 = arith.addi %mul3A_326, %add3A_509 : i32
      %get3A_511 = arith.index_cast %add3A_510 : i32 to index
      %get3A_512 = arith.constant 32 : index
      %get3A_513 = tpu.vector_load %arg13[%get3A_511, %get3A_512] {strides = array<i32>} : memref<512x64xf32, #tpu.memory_space<vmem>>, vector<1x16xf32>,
      %get3A_514 = vector.shape_cast %get3A_513 : vector<1x16xf32> to vector<16xf32>
      %swap3A_515 = arith.index_cast %add3A_508 : i32 to index
      %swap3A_516 = arith.constant 32 : index
      %swap3A_517 = tpu.vector_load %arg12[%swap3A_515, %swap3A_516] {strides = array<i32>} : memref<512x64xf32, #tpu.memory_space<vmem>>, vector<1x16xf32>,
      %swap3A_518 = vector.shape_cast %swap3A_517 : vector<1x16xf32> to vector<16xf32>
      %swap3A_519 = vector.shape_cast %get3A_514 : vector<16xf32> to vector<1x16xf32>
      tpu.vector_store %arg12[%swap3A_515, %swap3A_516], %swap3A_519 {add = true, strides = array<i32>} : memref<512x64xf32, #tpu.memory_space<vmem>>, vector<1x16xf32>,
      %add3A_520 = arith.constant 3 : i32
      %add3A_521 = arith.addi %mul3A_326, %add3A_520 : i32
      %add3A_522 = arith.constant 3 : i32
      %add3A_523 = arith.addi %mul3A_326, %add3A_522 : i32
      %get3A_524 = arith.index_cast %add3A_523 : i32 to index
      %get3A_525 = arith.constant 48 : index
      %get3A_526 = tpu.vector_load %arg13[%get3A_524, %get3A_525] {strides = array<i32>} : memref<512x64xf32, #tpu.memory_space<vmem>>, vector<1x16xf32>,
      %get3A_527 = vector.shape_cast %get3A_526 : vector<1x16xf32> to vector<16xf32>
      %swap3A_528 = arith.index_cast %add3A_521 : i32 to index
      %swap3A_529 = arith.constant 48 : index
      %swap3A_530 = tpu.vector_load %arg12[%swap3A_528, %swap3A_529] {strides = array<i32>} : memref<512x64xf32, #tpu.memory_space<vmem>>, vector<1x16xf32>,
      %swap3A_531 = vector.shape_cast %swap3A_530 : vector<1x16xf32> to vector<16xf32>
      %swap3A_532 = vector.shape_cast %get3A_527 : vector<16xf32> to vector<1x16xf32>
      tpu.vector_store %arg12[%swap3A_528, %swap3A_529], %swap3A_532 {add = true, strides = array<i32>} : memref<512x64xf32, #tpu.memory_space<vmem>>, vector<1x16xf32>,
    }
    %scan3A_321 = arith.constant 128 : i32
    %mul3A_322 = arith.constant 512 : i32
    %mul3A_323 = arith.muli %add3A, %mul3A_322 : i32
    "tpu.region"() ({
      %run_scoped3A = tpu.sem_alloc : memref<!tpu.dma_semaphore, #tpu.memory_space<semaphore_mem>>
      %dma_start3A_324 = arith.constant 0 : i32
      %dma_start3A_325 = tpu.memref_slice %arg10[%mul3A_323, %dma_start3A_324] : memref<16384x64xf32, #tpu.memory_space<hbm>> -> memref<512x64xf32, #tpu.memory_space<hbm>>
      %dma_start3A_326 = arith.constant 0 : i32
      %dma_start3A_327 = tpu.memref_slice %arg10[%mul3A_323, %dma_start3A_326] : memref<16384x64xf32, #tpu.memory_space<hbm>> -> memref<512x64xf32, #tpu.memory_space<hbm>>
      tpu.enqueue_dma source(%arg12 : memref<512x64xf32, #tpu.memory_space<vmem>>) target(%dma_start3A_327 : memref<512x64xf32, #tpu.memory_space<hbm>>) target_semaphore(%run_scoped3A : memref<!tpu.dma_semaphore, #tpu.memory_space<semaphore_mem>>)
      %dma_wait3A_328 = arith.constant 0 : i32
      %dma_wait3A_329 = tpu.memref_slice %arg10[%mul3A_323, %dma_wait3A_328] : memref<16384x64xf32, #tpu.memory_space<hbm>> -> memref<512x64xf32, #tpu.memory_space<hbm>>
      %dma_wait3A_330 = arith.constant 0 : i32
      %dma_wait3A_331 = tpu.memref_slice %arg10[%mul3A_323, %dma_wait3A_330] : memref<16384x64xf32, #tpu.memory_space<hbm>> -> memref<512x64xf32, #tpu.memory_space<hbm>>
      tpu.wait_dma2 semaphore(%run_scoped3A : memref<!tpu.dma_semaphore, #tpu.memory_space<semaphore_mem>>) src(%arg12 : memref<512x64xf32, #tpu.memory_space<vmem>>) dst(%dma_wait3A_331 : memref<512x64xf32, #tpu.memory_space<hbm>>)
      tpu.yield
    }) : () -> ()
    return
  }
}

module attributes {stable_mosaic.version = 14 : i64} {
  func.func @_tc_project(%arg0: i32, %arg1: memref<8x4096xi32, #tpu.memory_space<vmem>>, %arg2: memref<4096x64xf32, #tpu.memory_space<vmem>>, %arg3: memref<64x64xf32, #tpu.memory_space<vmem>>, %arg4: memref<8x64xf32, #tpu.memory_space<vmem>>, %arg5: memref<4096x64xf32, #tpu.memory_space<vmem>>) attributes {dimension_semantics = [#tpu.dimension_semantics<arbitrary>], iteration_bounds = array<i64: 4>, scalar_prefetch = 0 : i64, scratch_operands = 0 : i64, tpu.core_type = #tpu.core_type<tc>, window_params = [{transform_indices = @transform_0, window_bounds = array<i64: 8, 4096>}, {transform_indices = @transform_1, window_bounds = array<i64: 4096, 64>}, {pipeline_mode = #tpu.pipeline_mode<synchronous>, transform_indices = @transform_2, window_bounds = array<i64: 64, 64>}, {pipeline_mode = #tpu.pipeline_mode<synchronous>, transform_indices = @transform_3, window_bounds = array<i64: 8, 64>}, {transform_indices = @transform_4, window_bounds = array<i64: 4096, 64>}]} {
    %get3A = arith.constant 0 : index
    %get3A_0 = arith.constant 0 : index
    %get3A_1 = vector.load %arg1[%get3A, %get3A_0] : memref<8x4096xi32, #tpu.memory_space<vmem>>, vector<8x4096xi32>
    %eq3A = arith.constant 0 : i32
    %eq3A_2 = vector.broadcast %eq3A : i32 to vector<8x4096xi32>
    %eq3A_3 = arith.cmpi eq, %get3A_1, %eq3A_2 : vector<8x4096xi32>
    %convert_element_type3A = arith.extui %eq3A_3 : vector<8x4096xi1> to vector<8x4096xi32>
    %convert_element_type3A_4 = arith.sitofp %convert_element_type3A : vector<8x4096xi32> to vector<8x4096xf32>
    %get3A_5 = arith.constant 0 : index
    %get3A_6 = arith.constant 0 : index
    %get3A_7 = vector.load %arg4[%get3A_5, %get3A_6] : memref<8x64xf32, #tpu.memory_space<vmem>>, vector<8x64xf32>
    %get3A_8 = arith.constant 0 : index
    %get3A_9 = arith.constant 0 : index
    %get3A_10 = vector.load %arg3[%get3A_8, %get3A_9] : memref<64x64xf32, #tpu.memory_space<vmem>>, vector<64x64xf32>
    %dot_general3A = arith.constant dense<0.000000e+00> : vector<8x64xf32>
    %dot_general3A_11 = tpu.matmul %get3A_7, %get3A_10, %dot_general3A {dimension_numbers = #tpu.dot_dimension_numbers<[1], [0], [0], [1], [0, 0, 1, 1], [], []>, transpose_lhs_hint = false} : vector<8x64xf32>, vector<64x64xf32>, vector<8x64xf32> -> vector<8x64xf32>
    %get3A_12 = arith.constant 0 : index
    %get3A_13 = arith.constant 0 : index
    %get3A_14 = vector.load %arg2[%get3A_12, %get3A_13] : memref<4096x64xf32, #tpu.memory_space<vmem>>, vector<4096x64xf32>
    %get3A_15 = arith.constant 0 : index
    %get3A_16 = arith.constant 0 : index
    %get3A_17 = vector.load %arg3[%get3A_15, %get3A_16] : memref<64x64xf32, #tpu.memory_space<vmem>>, vector<64x64xf32>
    %dot_general3A_18 = arith.constant dense<0.000000e+00> : vector<4096x64xf32>
    %dot_general3A_19 = tpu.matmul %get3A_14, %get3A_17, %dot_general3A_18 {dimension_numbers = #tpu.dot_dimension_numbers<[1], [0], [0], [1], [0, 0, 1, 1], [], []>, transpose_lhs_hint = false} : vector<4096x64xf32>, vector<64x64xf32>, vector<4096x64xf32> -> vector<4096x64xf32>
    %dot_general3A_20 = arith.constant dense<0.000000e+00> : vector<4096x64xf32>
    %dot_general3A_21 = tpu.matmul %convert_element_type3A_4, %dot_general3A_11, %dot_general3A_20 {dimension_numbers = #tpu.dot_dimension_numbers<[0], [0], [1], [1], [0, 1, 1, 1], [], []>, transpose_lhs_hint = false} : vector<8x4096xf32>, vector<8x64xf32>, vector<4096x64xf32> -> vector<4096x64xf32>
    %sub3A = arith.subf %dot_general3A_19, %dot_general3A_21 : vector<4096x64xf32>
    %swap3A = arith.constant 0 : index
    %swap3A_22 = arith.constant 0 : index
    %swap3A_23 = vector.load %arg5[%swap3A, %swap3A_22] : memref<4096x64xf32, #tpu.memory_space<vmem>>, vector<4096x64xf32>
    tpu.vector_store %arg5[%swap3A, %swap3A_22], %sub3A {strides = array<i32>} : memref<4096x64xf32, #tpu.memory_space<vmem>>, vector<4096x64xf32>,
    return
  }
  func.func @transform_0(%arg0: i32) -> (i32, i32) {
    %c0_i32 = arith.constant 0 : i32
    %c0_i32_0 = arith.constant 0 : i32
    return %c0_i32, %arg0 : i32, i32
  }
  func.func @transform_1(%arg0: i32) -> (i32, i32) {
    %c0_i32 = arith.constant 0 : i32
    %c0_i32_0 = arith.constant 0 : i32
    return %arg0, %c0_i32 : i32, i32
  }
  func.func @transform_2(%arg0: i32) -> (i32, i32) {
    %c0_i32 = arith.constant 0 : i32
    %c0_i32_0 = arith.constant 0 : i32
    %c0_i32_1 = arith.constant 0 : i32
    return %c0_i32, %c0_i32_0 : i32, i32
  }
  func.func @transform_3(%arg0: i32) -> (i32, i32) {
    %c0_i32 = arith.constant 0 : i32
    %c0_i32_0 = arith.constant 0 : i32
    %c0_i32_1 = arith.constant 0 : i32
    return %c0_i32, %c0_i32_0 : i32, i32
  }
  func.func @transform_4(%arg0: i32) -> (i32, i32) {
    %c0_i32 = arith.constant 0 : i32
    %c0_i32_0 = arith.constant 0 : i32
    return %arg0, %c0_i32 : i32, i32
  }
}

</mosaic_0001>

<sc_bundles>
// kernel: kernel.4.cloned.1.call-start
scs
__scs_entry_jumppad:
0x0: {  	(pc) =	sbr.rel $0x88, $3  }
0x1: {  	(tag) =	ssettag $0x0;
	lr =	simm.s32 $0x1  }
0x2: {  	[smem:$0x3F98] =	sst lr;
	_ =	strace $0xD0000000  }
0x3: {  	_ = 	snop  }
0x4: {  	_ = 	snop  }
0x5: {  	_ = 	snop  }
0x6: {  	_ = 	snop  }
0x7: {  	_ = 	snop  }
__scs_overlays_trampoline_lowered:
0x8: {  	[smem:$0x3FA7] =	sst s0  }
0x9: {  	[smem:$0x3FA8] =	sst s1  }
0xa: {  	[smem:$0x3FA9] =	sst s2  }
0xb: {  	[smem:$0x3FAA] =	sst s3  }
0xc: {  	[smem:$0x3FAB] =	sst s4  }
0xd: {  	[smem:$0x3FAC] =	sst s5  }
0xe: {  	[smem:$0x3FAD] =	sst s6  }
0xf: {  	[smem:$0x3FAE] =	sst s7  }
0x10: {  	[smem:$0x3FAF] =	sst s8  }
0x11: {  	[smem:$0x3FB0] =	sst s9;
	s0 =	simm.s32 @!p0 $0x0  }
0x12: {  	s1 =	sld [smem:$0x3F96];
	s0 =	simm.s32 @p0 $0x1  }
0x13: {  	[smem:$0x3FB1] =	sst s0;
	s0 =	simm.s32 @!p1 $0x0  }
0x14: {  	s2 =	sld [smem:$0x3F95];
	s0 =	simm.s32 @p1 $0x1  }
0x15: {  	[smem:$0x3FB2] =	sst s0;
	s0 =	simm.s32 @!p2 $0x0  }
0x16: {  	s3 =	sld [smem:$0x3FDB];
	s0 =	simm.s32 @p2 $0x1  }
0x17: {  	s4 =	simm.s32 $0x1BF5;
	[smem:$0x3FB4] =	sst s0  }
0x18: {  	s0 =	sld [smem:$0x3F97];
	_ =	swait.ge [sflag:s4], $0x0  }
0x19: {  	s7 =	sld [smem:$0x3F98]  }
0x1a: {  	s8 =	sadd.s32 $0xFFFFE003, lr  }
0x1b: {  	s9 =	sadd.s32 $0xFFFFFEF7, lr;
	s5 =	simm.s32 $0xFFFFFFFF;
	p2 =	slt.u32 s8, $0xFFFFF086  }
0x1c: {  	p1 =	slt.u32 s9, $0xF7A;
	s5 =	simm.s32 @!p2 $0x0  }
0x1d: {  	s5 =	simm.s32 @p1 $0x1;
	p0 =	seq.s32 s7, s2  }
0x1e: {  	s7 =	smul.u32 @!p0 $0xF7A, s2;
	p2 =	seq.s32 @!p0 s5, $0x0  }
0x1f: {  	s9 =	smul.u32 $0xF7A, s1;
	s8 =	simm.s32 @!p0 $0x1BF5;
	p2 =	por !p2, p0  }
0x20: {  	[sflag:s8] =	ssyncset.s32 @!p0 $0xFFFFF086;
	s6 =	sadd.s32 @!p0 s3, s7;
	s7 =	simm.s32 @!p0 $0x108  }
0x21: {  	s3 =	sadd.s32 s3, s9;
	s6 =	sadd.s32 @!p0 $0x88, s6;
	s7 =	simm.s32 @p2 $0x1082  }
0x22: {  	[simem:s7], [sflag:s8] =	dma.local @!p0 [hbm:s6], $0xF7A  }
0x23: {  	s9 =	sor.u32 $0xD0000000, s2;
	s6 =	simm.s32 $0x108;
	_ =	swait.ge @!p0 [sflag:s8], $0x0  }
0x24: {  	s3 =	sadd.s32 $0x88, s3;
	s6 =	simm.s32 @!p1 $0x1082;
	[sflag:s4] =	ssyncset.s32 $0xFFFFF086  }
0x25: {  	[simem:s6], [sflag:s4] =	dma.local [hbm:s3], $0xF7A  }
0x26: {  	[smem:$0x3F98] =	sst s1;
	(tag) =	ssettag s2;
	_ =	strace s9  }
0x27: {  	s1 =	sld [smem:$0x3FA8]  }
0x28: {  	s2 =	sld [smem:$0x3FA9]  }
0x29: {  	s4 =	sld [smem:$0x3FAB]  }
0x2a: {  	p0 =	seq.s32 s5, $0x0;
	s5 =	sld [smem:$0x3FAC]  }
0x2b: {  	s6 =	sld [smem:$0x3FAD]  }
0x2c: {  	s7 =	sld [smem:$0x3FAE]  }
0x2d: {  	s3 =	simm.s32 $0x108;
	s8 =	sld [smem:$0x3FAF]  }
0x2e: {  	s3 =	simm.s32 @!p0 $0x1082;
	s9 =	sld [smem:$0x3FB0]  }
0x2f: {  	lr =	sadd.s32 s0, s3;
	s0 =	sld [smem:$0x3FA7]  }
0x30: {  	s3 =	sld [smem:$0x3FAA]  }
0x31: {  	[smem:$0x3FB3] =	sst s10  }
0x32: {  	s10 =	sld [smem:$0x3FB1];
	_ =	sdelay $0x3  }
0x33: {  	p0 =	seq.s32 s10, $0x1;
	s10 =	sld [smem:$0x3FB3];
	_ =	sdelay $0x3  }
0x34: {  	[smem:$0x3FB3] =	sst s10  }
0x35: {  	s10 =	sld [smem:$0x3FB2];
	_ =	sdelay $0x3  }
0x36: {  	p1 =	seq.s32 s10, $0x1;
	s10 =	sld [smem:$0x3FB3];
	_ =	sdelay $0x3  }
0x37: {  	[smem:$0x3FB3] =	sst s10  }
0x38: {  	s10 =	sld [smem:$0x3FB4]  }
0x39: {  	_ = 	snop;
	(pc) =	sbr.ind lr, $3  }
0x3a: {  	_ = 	snop  }
0x3b: {  	_ = 	snop  }
0x3c: {  	p2 =	seq.s32 s10, $0x1;
	s10 =	sld [smem:$0x3FB3]  }
0x3d: {  	_ =	shalt  }
0x3e: {  	_ =	shalt  }
0x3f: {  	_ =	shalt  }
0x40: {  	_ =	shalt  }
0x41: {  	_ =	shalt  }
0x42: {  	_ =	shalt  }
0x43: {  	_ =	shalt  }
0x44: {  	_ =	shalt  }
0x45: {  	_ =	shalt  }
0x46: {  	_ =	shalt  }
0x47: {  	_ =	shalt  }
0x48: {  	_ =	shalt  }
0x49: {  	_ =	shalt  }
0x4a: {  	_ =	shalt  }
0x4b: {  	_ =	shalt  }
0x4c: {  	_ =	shalt  }
0x4d: {  	_ =	shalt  }
0x4e: {  	_ =	shalt  }
0x4f: {  	_ =	shalt  }
0x50: {  	_ =	shalt  }
0x51: {  	_ =	shalt  }
0x52: {  	_ =	shalt  }
0x53: {  	_ =	shalt  }
0x54: {  	_ =	shalt  }
0x55: {  	_ =	shalt  }
0x56: {  	_ =	shalt  }
0x57: {  	_ =	shalt  }
0x58: {  	_ =	shalt  }
0x59: {  	_ =	shalt  }
0x5a: {  	_ =	shalt  }
0x5b: {  	_ =	shalt  }
0x5c: {  	_ =	shalt  }
0x5d: {  	_ =	shalt  }
0x5e: {  	_ =	shalt  }
0x5f: {  	_ =	shalt  }
0x60: {  	_ =	shalt  }
0x61: {  	_ =	shalt  }
0x62: {  	_ =	shalt  }
0x63: {  	_ =	shalt  }
0x64: {  	_ =	shalt  }
0x65: {  	_ =	shalt  }
0x66: {  	_ =	shalt  }
0x67: {  	_ =	shalt  }
0x68: {  	_ =	shalt  }
0x69: {  	_ =	shalt  }
0x6a: {  	_ =	shalt  }
0x6b: {  	_ =	shalt  }
0x6c: {  	_ =	shalt  }
0x6d: {  	_ =	shalt  }
0x6e: {  	_ =	shalt  }
0x6f: {  	_ =	shalt  }
0x70: {  	_ =	shalt  }
0x71: {  	_ =	shalt  }
0x72: {  	_ =	shalt  }
0x73: {  	_ =	shalt  }
0x74: {  	_ =	shalt  }
0x75: {  	_ =	shalt  }
0x76: {  	_ =	shalt  }
0x77: {  	_ =	shalt  }
0x78: {  	_ =	shalt  }
0x79: {  	_ =	shalt  }
0x7a: {  	_ =	shalt  }
0x7b: {  	_ =	shalt  }
0x7c: {  	_ =	shalt  }
0x7d: {  	_ =	shalt  }
0x7e: {  	_ =	shalt  }
0x7f: {  	_ =	shalt  }
0x80: {  	_ =	shalt  }
0x81: {  	_ =	shalt  }
0x82: {  	_ =	shalt  }
0x83: {  	_ =	shalt  }
0x84: {  	_ =	shalt  }
0x85: {  	_ =	shalt  }
0x86: {  	_ =	shalt  }
0x87: {  	_ =	shalt  }
.Lfunc_end0:
.L_simem_size_0:
called_computation_lowered:
.L_overlay_start_0:
0x88: {  	s2 =	sld [smem:$0x3FD9]  }
0x89: {  	s3 =	sld [smem:$0x3FFE];
	_ =	sdelay $0x1  }
0x8a: {  	s1 =	srdreg.scid  }
0x8b: {  	s0 =	sand.u32 $0x1, s1  }
0x8c: {  	s17 =	sshll.u32 s0, $0xA;
	s2 =	sadd.s32 s3, s2  }
0x8d: {  	s2 =	sadd.s32 s2, s17  }
0x8e: {  	[smem:$0x3FBF] =	sst s2  }
0x8f: {  	_ = 	snop  }
0x90: {  	s2 =	sld [smem:$0x3FC9]  }
0x91: {  	s18 =	sld [smem:$0x3FC8]  }
0x92: {  	s4 =	sld [smem:$0x3FC7]  }
0x93: {  	s5 =	sld [smem:$0x3FC6]  }
0x94: {  	s6 =	sld [smem:$0x3FD0];
	(tm) =	ssettm $0x1  }
0x95: {  	s7 =	sld [smem:$0x3FFB];
	_ =	sdelay $0x3  }
0x96: {  	_ =	strace s7  }
0x97: {  	s7 =	sld [smem:$0x3FFC];
	_ =	sdelay $0x3  }
0x98: {  	_ =	strace s7  }
0x99: {  	s7 =	sld [smem:$0x3FFD];
	_ =	sdelay $0x3  }
0x9a: {  	_ =	strace s7  }
0x9b: {  	_ =	strace $0x8FFFFFFF  }
0x9c: {  	s19 =	sld [smem:$0x3FDB];
	_ =	sdelay $0x1  }
0x9d: {  	s8 =	simm.s32 $_scs_section_size  }
0x9e: {  	s9 =	simm.s32 $_size__tile_overlayer_lowered;
	s10 =	simm.s32 $_tile_overlayer_lowered  }
0x9f: {  	s22 =	simm.s32 $0x1BFF;
	s21 =	sshll.u32 s10, $0x1;
	s7 =	sadd.s32 s8, s19  }
0xa0: {  	s11 =	simm.s32 $0x0;
	s20 =	sshll.u32 s9, $0x1;
	s9 =	sadd.s32 s21, s7  }
0xa1: {  	[timem:s11], [sflag:s22] =	dma.local [hbm:s9], s20  }
0xa2: {  	_ =	swait.ge [sflag:s22], s20  }
0xa3: {  	s8 =	ssub.s32 $0x0, s20;
	[sflag:s22] =	ssyncset.done $0x0  }
0xa4: {  	[sflag:s22] =	ssyncadd.s32 s8;
	_ =	sdelay $0x1  }
0xa5: {  	s23 =	simm.s32 $0x1B8B  }
0xa6: {  	_ =	swait.ge [sflag:s23], $0x1  }
0xa7: {  	[sflag:s23] =	ssyncset.done $0x0  }
0xa8: {  	s25 =	simm.s32 $0x1B8E;
	s24 =	sld [smem:$0x3FFE];
	[sflag:s23] =	ssyncadd.s32 $0xFFFFFFFF  }
0xa9: {  	s26 =	simm.s32 $execute0_lowered;
	[smem:$0x3FD2] =	sst s25  }
0xaa: {  	s9 =	sshll.u32 s26, $0x1;
	_ =	strace $0x80000046;
	[dreg:$0x1] =	wrdreg $0xFFFFFFFF  }
0xab: {  	s28 =	simm.s32 $_size_execute0_lowered;
	s7 =	sadd.s32 s7, s9;
	[dreg:$0x0] =	wrdreg $0x0  }
0xac: {  	s9 =	sshll.u32 s28, $0x1;
	[dreg:$0x2] =	wrdreg s7  }
0xad: {  	[dreg:$0x3] =	wrdreg s9  }
0xae: {  	[dreg:$0x4] =	wrdreg $0xC0  }
0xaf: {  	_ =	task [dreg:s11], $0x5FFFF  }
0xb0: {  	[dreg:$0x1] =	wrdreg $0xFFFFFFFF  }
0xb1: {  	[dreg:$0x0] =	wrdreg $0x60  }
0xb2: {  	[dreg:$0x2] =	wrdreg s2  }
0xb3: {  	[dreg:$0x3] =	wrdreg s18  }
0xb4: {  	[dreg:$0x4] =	wrdreg s4  }
0xb5: {  	[dreg:$0x5] =	wrdreg s5  }
0xb6: {  	[dreg:$0x6] =	wrdreg s24  }
0xb7: {  	[dreg:$0x7] =	wrdreg s6  }
0xb8: {  	[dreg:$0x8] =	wrdreg $0x9  }
0xb9: {  	_ =	task.clear_ibuf [dreg:s11], $0x9FFFF;
	_ =	strace $0x90000046  }
0xba: {  	s29 =	simm.s32 $0x9;
	_ =	strace $0x80000048  }
0xbb: {  	_ =	swait.ge [sflag:s29], $0x1  }
0xbc: {  	[sflag:s29] =	ssyncadd.s32 $0xFFFFFFFF  }
0xbd: {  	_ =	strace $0x90000048  }
0xbe: {  	_ =	sfence  }
0xbf: {  	s30 =	sld [smem:$0x0];
	_ =	sdelay $0x2  }
0xc0: {  	s31 =	sshll.u32 s1, $0xD;
	s1 =	sshrl.u32 s1, $0x2  }
0xc1: {  	s3 =	sand.u32 $0x4000, s31;
	s1 =	sadd.s32 s1, s30  }
0xc2: {  	s0 =	sor.u32 s3, s0;
	s1 =	sshll.u32 s1, $0x11  }
0xc3: {  	s0 =	sor.u32 s1, s0  }
0xc4: {  	s0 =	sadd.s32 $0x8F2B, s0  }
0xc5: {  	[sflag:s0] =	ssyncadd.remote.s32 $0x1  }
0xc6: {  	_ =	sfence.sel $0xFFFF  }
0xc7: {  	[dreg:$0x0] =	wrdreg $0xFFFFFFFF;
	(pc) =	sbr.abs _section_cstart, $3  }
0xc8: {  	[dreg:$0x1] =	wrdreg $0xFFFFFFFF  }
0xc9: {  	_ =	task.clear_ibuf [dreg:s11], $0x2FFFF;
	_ =	strace $0x9FFFFFFF  }
0xca: {  	(tm) =	ssettm $0x7FFFFFFF  }
0xcb: {  	_ =	shalt  }
tec
execute0_lowered:
.L_overlay_start_1:
0x0: {  	(tag) =	ssettag $0x1  }
0x1: {  	s0 =	rddreg [dreg:$0x0]  }
0x2: {  	s2 =	rddreg [dreg:$0x1]  }
0x3: {  	s9 =	rddreg [dreg:$0x2]  }
0x4: {  	s10 =	rddreg [dreg:$0x3]  }
0x5: {  	s6 =	rddreg [dreg:$0x4]  }
0x6: {  	s11 =	rddreg [dreg:$0x5]  }
0x7: {  	s1 =	simm.s32 $0x0;
	s5 =	srdreg.scid;
	s8 =	stileid.u32  }
0x8: {  	s15 =	simm.s32 $0x600;
	s16 =	simm.s32 $0x1;
	s17 =	simm.s32 $0x80  }
0x9: {  	s18 =	simm.s32 $0x800;
	s24 =	simm.s32 $0x8800;
	s29 =	simm.s32 $0xC800  }
0xa: {  	s31 =	simm.s32 $0xE800;
	s25 =	simm.s32 $0x16800;
	s28 =	simm.s32 $0x3  }
0xb: {  	s30 =	simm.s32 $0x680;
	s19 =	simm.s32 $0x780;
	s20 =	simm.s32 $0x4  }
0xc: {  	s21 =	simm.s32 $0x0;
	[smem:$0x7FF] =	sst s1;
	s3 =	sadd.s32 $0x18C000, s6  }
0xd: {  	s4 =	sadd.s32 $0x3D6000, s6;
	s5 =	sand.u32 $0x1, s5;
	s8 =	sshll.u32 s8, $0xA  }
0xe: {  	_ =	strace $0x80000047;
	s7 =	ssub.s32 $0x2, s5;
	s12 =	sshll.u32 s5, $0x9  }
0xf: {  	s5 =	sadd.s32 $0x620000, s6;
	s13 =	sshrl.u32 s7, $0x1;
	s12 =	sor.u32 s12, s8  }
0x10: {  	s6 =	sadd.s32 $0x86A000, s6;
	s13 =	ssub.s32 s7, s13;
	s14 =	sshrl.u32 s12, $0x3  }
0x11: {  	s26 =	sshll.u32 s12, $0x3;
	s7 =	sadd.s32 s0, s14;
	s8 =	sadd.s32 s2, s14  }
0x12: {  	s9 =	sadd.s32 s9, s14;
	s10 =	sadd.s32 s10, s14;
	s11 =	sadd.s32 s11, s26  }
0x13: {  	s12 =	smax.u32 s13, $0x1;
	s13 =	simm.s32 $0x200;
	s14 =	simm.s32 $0x400  }
0x14: {  	s26 =	simm.s32 $0xA800;
	s0 =	simm.s32 $0x2;
	s2 =	simm.s32 $0x700  }
.LBB2_1:
0x15: {  	[tilespmem:s1], [sflag:$0x1] =	stream.linear.gather [hbm4b:s7+s1], $0x200, $0x38;
	[tilespmem:$0x18800] =	vst v63  }
0x16: {  	_ = 	snop  }
0x17: {  	[tilespmem:s13], [sflag:$0x1] =	stream.linear.gather [hbm4b:s8+s1], $0x200, $0x38;
	[tilespmem:$0x18800] =	vst v63  }
0x18: {  	_ = 	snop  }
0x19: {  	[tilespmem:s14], [sflag:$0x1] =	stream.linear.gather [hbm4b:s9+s1], $0x200, $0x38;
	[tilespmem:$0x18800] =	vst v63  }
0x1a: {  	_ = 	snop  }
0x1b: {  	[tilespmem:s15], [sflag:$0x1] =	stream.linear.gather [hbm4b:s10+s1], $0x200, $0x38;
	[tilespmem:$0x18800] =	vst v63  }
0x1c: {  	_ =	swait.ge [sflag:s16], $0x200  }
0x1d: {  	[sflag:s16] =	ssyncset.done $0x0  }
0x1e: {  	[sflag:s16] =	ssyncadd.s32 $0xFFFFFE00  }
0x1f: {  	_ =	swait.ge [sflag:s16], $0x200  }
0x20: {  	[sflag:s16] =	ssyncset.done $0x0  }
0x21: {  	[sflag:s16] =	ssyncadd.s32 $0xFFFFFE00  }
0x22: {  	_ =	swait.ge [sflag:s16], $0x200  }
0x23: {  	[sflag:s16] =	ssyncset.done $0x0  }
0x24: {  	[sflag:s16] =	ssyncadd.s32 $0xFFFFFE00  }
0x25: {  	_ =	swait.ge [sflag:s16], $0x200  }
0x26: {  	[sflag:s16] =	ssyncset.done $0x0  }
0x27: {  	[sflag:s16] =	ssyncadd.s32 $0xFFFFFE00  }
0x28: {  	[tilespmem:s18], [sflag:$0x2] =	stream.indirect.gather [hbm4b:s3+s17], $0x40, s1, s17, $0xb8;
	[tilespmem:$0x18800] =	vst v63  }
0x29: {  	s22 =	simm.s32 $0x2800  }
0x2a: {  	[tilespmem:s22], [sflag:$0x2] =	stream.indirect.gather [hbm4b:s3+s17], $0x40, s17, s17, $0xb8;
	[tilespmem:$0x18800] =	vst v63  }
0x2b: {  	s23 =	simm.s32 $0x4800;
	s22 =	simm.s32 $0x100  }
0x2c: {  	[tilespmem:s23], [sflag:$0x2] =	stream.indirect.gather [hbm4b:s3+s17], $0x40, s22, s17, $0xb8;
	[tilespmem:$0x18800] =	vst v63  }
0x2d: {  	s22 =	simm.s32 $0x180;
	s23 =	simm.s32 $0x6800  }
0x2e: {  	[tilespmem:s23], [sflag:$0x2] =	stream.indirect.gather [hbm4b:s3+s17], $0x40, s22, s17, $0xb8;
	[tilespmem:$0x18800] =	vst v63  }
0x2f: {  	_ = 	snop  }
0x30: {  	[tilespmem:s24], [sflag:$0x3] =	stream.indirect.gather [hbm4b:s4+s17], $0x40, s13, s17, $0xb8;
	[tilespmem:$0x18800] =	vst v63  }
0x31: {  	s23 =	simm.s32 $0x280  }
0x32: {  	[tilespmem:s26], [sflag:$0x3] =	stream.indirect.gather [hbm4b:s4+s17], $0x40, s23, s17, $0xb8;
	[tilespmem:$0x18800] =	vst v63  }
0x33: {  	s23 =	simm.s32 $0x300  }
0x34: {  	[tilespmem:s29], [sflag:$0x3] =	stream.indirect.gather [hbm4b:s4+s17], $0x40, s23, s17, $0xb8;
	[tilespmem:$0x18800] =	vst v63  }
0x35: {  	s23 =	simm.s32 $0x380  }
0x36: {  	[tilespmem:s31], [sflag:$0x3] =	stream.indirect.gather [hbm4b:s4+s17], $0x40, s23, s17, $0xb8;
	[tilespmem:$0x18800] =	vst v63  }
0x37: {  	_ =	swait.ge [sflag:s0], $0x2000  }
0x38: {  	[sflag:s0] =	ssyncset.done $0x0  }
0x39: {  	[sflag:s0] =	ssyncadd.s32 $0xFFFFE000  }
0x3a: {  	_ =	swait.ge [sflag:s0], $0x2000  }
0x3b: {  	[sflag:s0] =	ssyncset.done $0x0  }
0x3c: {  	[sflag:s0] =	ssyncadd.s32 $0xFFFFE000  }
0x3d: {  	_ =	swait.ge [sflag:s0], $0x2000  }
0x3e: {  	[sflag:s0] =	ssyncset.done $0x0  }
0x3f: {  	[sflag:s0] =	ssyncadd.s32 $0xFFFFE000  }
0x40: {  	_ =	swait.ge [sflag:s0], $0x2000  }
0x41: {  	[sflag:s0] =	ssyncset.done $0x0  }
0x42: {  	s23 =	simm.s32 $0x10800;
	[sflag:s0] =	ssyncadd.s32 $0xFFFFE000  }
0x43: {  	[tilespmem:s23], [sflag:$0x2] =	stream.indirect.gather [hbm4b:s5+s17], $0x40, s14, s17, $0xb8;
	[tilespmem:$0x18800] =	vst v63  }
0x44: {  	s22 =	simm.s32 $0x480;
	s23 =	simm.s32 $0x12800  }
0x45: {  	[tilespmem:s23], [sflag:$0x2] =	stream.indirect.gather [hbm4b:s5+s17], $0x40, s22, s17, $0xb8;
	[tilespmem:$0x18800] =	vst v63  }
0x46: {  	s22 =	simm.s32 $0x500;
	s23 =	simm.s32 $0x14800  }
0x47: {  	[tilespmem:s23], [sflag:$0x2] =	stream.indirect.gather [hbm4b:s5+s17], $0x40, s22, s17, $0xb8;
	[tilespmem:$0x18800] =	vst v63  }
0x48: {  	s23 =	simm.s32 $0x580  }
0x49: {  	[tilespmem:s25], [sflag:$0x2] =	stream.indirect.gather [hbm4b:s5+s17], $0x40, s23, s17, $0xb8;
	[tilespmem:$0x18800] =	vst v63  }
0x4a: {  	_ =	swait.ge [sflag:s28], $0x2000  }
0x4b: {  	[sflag:s28] =	ssyncset.done $0x0  }
0x4c: {  	[sflag:s28] =	ssyncadd.s32 $0xFFFFE000  }
0x4d: {  	_ =	swait.ge [sflag:s28], $0x2000  }
0x4e: {  	[sflag:s28] =	ssyncset.done $0x0  }
0x4f: {  	[sflag:s28] =	ssyncadd.s32 $0xFFFFE000  }
0x50: {  	_ =	swait.ge [sflag:s28], $0x2000  }
0x51: {  	[sflag:s28] =	ssyncset.done $0x0  }
0x52: {  	[sflag:s28] =	ssyncadd.s32 $0xFFFFE000  }
0x53: {  	_ =	swait.ge [sflag:s28], $0x2000  }
0x54: {  	[sflag:s28] =	ssyncset.done $0x0  }
0x55: {  	s22 =	simm.s32 $0x0;
	s23 =	simm.s32 $0x400;
	[sflag:s28] =	ssyncadd.s32 $0xFFFFE000  }
.LBB2_2:
0x56: {  	p0 =	sne.s32 s23, $0x1FC00;
	v0 =	vld [tilespmem:s22+$0x88F0]  }
0x57: {  	v1 =	vld [tilespmem:s22+$0x8800]  }
0x58: {  	v2 =	vld [tilespmem:s22+$0x8810]  }
0x59: {  	v3 =	vld [tilespmem:s22+$0x8820]  }
0x5a: {  	v4 =	vld [tilespmem:s22+$0x8830]  }
0x5b: {  	[tilespmem:s22+$0x8F0] =	vst.add.f32.msk $0xffff, v0  }
0x5c: {  	v0 =	vld [tilespmem:s22+$0x8840]  }
0x5d: {  	v5 =	vld [tilespmem:s22+$0x8850]  }
0x5e: {  	v6 =	vld [tilespmem:s22+$0x8860]  }
0x5f: {  	v7 =	vld [tilespmem:s22+$0x8870]  }
0x60: {  	v8 =	vld [tilespmem:s22+$0x8880]  }
0x61: {  	v9 =	vld [tilespmem:s22+$0x8890]  }
0x62: {  	v10 =	vld [tilespmem:s22+$0x88A0]  }
0x63: {  	v11 =	vld [tilespmem:s22+$0x88B0]  }
0x64: {  	v12 =	vld [tilespmem:s22+$0x88C0]  }
0x65: {  	v13 =	vld [tilespmem:s22+$0x88D0]  }
0x66: {  	v14 =	vld [tilespmem:s22+$0x88E0]  }
0x67: {  	[tilespmem:s22+$0x800] =	vst.add.f32.msk $0xffff, v1  }
0x68: {  	[tilespmem:s22+$0x810] =	vst.add.f32.msk $0xffff, v2  }
0x69: {  	[tilespmem:s22+$0x820] =	vst.add.f32.msk $0xffff, v3  }
0x6a: {  	[tilespmem:s22+$0x830] =	vst.add.f32.msk $0xffff, v4  }
0x6b: {  	[tilespmem:s22+$0x840] =	vst.add.f32.msk $0xffff, v0  }
0x6c: {  	[tilespmem:s22+$0x850] =	vst.add.f32.msk $0xffff, v5  }
0x6d: {  	[tilespmem:s22+$0x860] =	vst.add.f32.msk $0xffff, v6  }
0x6e: {  	[tilespmem:s22+$0x870] =	vst.add.f32.msk $0xffff, v7  }
0x6f: {  	[tilespmem:s22+$0x880] =	vst.add.f32.msk $0xffff, v8  }
0x70: {  	[tilespmem:s22+$0x890] =	vst.add.f32.msk $0xffff, v9  }
.Ltmp0:
0x71: {  	[tilespmem:s22+$0x8A0] =	vst.add.f32.msk $0xffff, v10;
	(pc) =	sbr.rel @p0 .LBB2_2-.Ltmp0, $4  }
0x72: {  	[tilespmem:s22+$0x8B0] =	vst.add.f32.msk $0xffff, v11  }
0x73: {  	[tilespmem:s22+$0x8C0] =	vst.add.f32.msk $0xffff, v12  }
0x74: {  	[tilespmem:s22+$0x8D0] =	vst.add.f32.msk $0xffff, v13  }
0x75: {  	[tilespmem:s22+$0x8E0] =	vst.add.f32.msk $0xffff, v14;
	s22 =	sshra.s32 s23, $0x2;
	s23 =	sadd.s32 $0x400, s23  }
0x76: {  	v0 =	vld [tilespmem:s22+$0x88F0]  }
0x77: {  	v1 =	vld [tilespmem:s22+$0x8800]  }
0x78: {  	v2 =	vld [tilespmem:s22+$0x8810]  }
0x79: {  	v3 =	vld [tilespmem:s22+$0x8820]  }
0x7a: {  	v4 =	vld [tilespmem:s22+$0x8830]  }
0x7b: {  	v63 =	vld [tilespmem:s22+$0x8840]  }
0x7c: {  	v5 =	vld [tilespmem:s22+$0x8850]  }
0x7d: {  	v6 =	vld [tilespmem:s22+$0x8860]  }
0x7e: {  	v7 =	vld [tilespmem:s22+$0x8870]  }
0x7f: {  	v8 =	vld [tilespmem:s22+$0x8880]  }
0x80: {  	v9 =	vld [tilespmem:s22+$0x8890]  }
0x81: {  	v10 =	vld [tilespmem:s22+$0x88A0]  }
0x82: {  	v11 =	vld [tilespmem:s22+$0x88B0]  }
0x83: {  	v12 =	vld [tilespmem:s22+$0x88C0]  }
0x84: {  	v13 =	vld [tilespmem:s22+$0x88D0]  }
0x85: {  	v14 =	vld [tilespmem:s22+$0x88E0]  }
0x86: {  	[tilespmem:s22+$0x8F0] =	vst.add.f32.msk $0xffff, v0  }
0x87: {  	[tilespmem:s22+$0x800] =	vst.add.f32.msk $0xffff, v1  }
0x88: {  	[tilespmem:s22+$0x810] =	vst.add.f32.msk $0xffff, v2  }
0x89: {  	[tilespmem:s22+$0x820] =	vst.add.f32.msk $0xffff, v3  }
0x8a: {  	[tilespmem:s22+$0x830] =	vst.add.f32.msk $0xffff, v4  }
0x8b: {  	[tilespmem:s22+$0x840] =	vst.add.f32.msk $0xffff, v63  }
0x8c: {  	[tilespmem:s22+$0x850] =	vst.add.f32.msk $0xffff, v5  }
0x8d: {  	[tilespmem:s22+$0x860] =	vst.add.f32.msk $0xffff, v6  }
0x8e: {  	[tilespmem:s22+$0x870] =	vst.add.f32.msk $0xffff, v7  }
0x8f: {  	[tilespmem:s22+$0x880] =	vst.add.f32.msk $0xffff, v8  }
0x90: {  	[tilespmem:s22+$0x890] =	vst.add.f32.msk $0xffff, v9  }
0x91: {  	[tilespmem:s22+$0x8A0] =	vst.add.f32.msk $0xffff, v10  }
0x92: {  	[tilespmem:s22+$0x8B0] =	vst.add.f32.msk $0xffff, v11  }
0x93: {  	[tilespmem:s22+$0x8C0] =	vst.add.f32.msk $0xffff, v12  }
0x94: {  	[tilespmem:s22+$0x8D0] =	vst.add.f32.msk $0xffff, v13  }
0x95: {  	[tilespmem:s22+$0x8E0] =	vst.add.f32.msk $0xffff, v14  }
0x96: {  	[tilespmem:s24], [sflag:$0x3] =	stream.indirect.gather [hbm4b:s6+s17], $0x40, s15, s17, $0xb8;
	[tilespmem:$0x18800] =	vst v63  }
0x97: {  	_ = 	snop  }
0x98: {  	[tilespmem:s26], [sflag:$0x3] =	stream.indirect.gather [hbm4b:s6+s17], $0x40, s30, s17, $0xb8;
	[tilespmem:$0x18800] =	vst v63  }
0x99: {  	_ = 	snop  }
0x9a: {  	[tilespmem:s29], [sflag:$0x3] =	stream.indirect.gather [hbm4b:s6+s17], $0x40, s2, s17, $0xb8;
	[tilespmem:$0x18800] =	vst v63  }
0x9b: {  	_ = 	snop  }
0x9c: {  	[tilespmem:s31], [sflag:$0x3] =	stream.indirect.gather [hbm4b:s6+s17], $0x40, s19, s17, $0xb8;
	[tilespmem:$0x18800] =	vst v63  }
0x9d: {  	_ =	swait.ge [sflag:s0], $0x2000  }
0x9e: {  	[sflag:s0] =	ssyncset.done $0x0  }
0x9f: {  	[sflag:s0] =	ssyncadd.s32 $0xFFFFE000  }
0xa0: {  	_ =	swait.ge [sflag:s0], $0x2000  }
0xa1: {  	[sflag:s0] =	ssyncset.done $0x0  }
0xa2: {  	[sflag:s0] =	ssyncadd.s32 $0xFFFFE000  }
0xa3: {  	_ =	swait.ge [sflag:s0], $0x2000  }
0xa4: {  	[sflag:s0] =	ssyncset.done $0x0  }
0xa5: {  	[sflag:s0] =	ssyncadd.s32 $0xFFFFE000  }
0xa6: {  	_ =	swait.ge [sflag:s0], $0x2000  }
0xa7: {  	[sflag:s0] =	ssyncset.done $0x0  }
0xa8: {  	s23 =	simm.s32 $0x400;
	s22 =	simm.s32 $0x0;
	[sflag:s0] =	ssyncadd.s32 $0xFFFFE000  }
.LBB2_4:
0xa9: {  	p0 =	sne.s32 s23, $0x1FC00;
	v0 =	vld [tilespmem:s22+$0x108F0]  }
0xaa: {  	v1 =	vld [tilespmem:s22+$0x10800]  }
0xab: {  	v2 =	vld [tilespmem:s22+$0x10810]  }
0xac: {  	v3 =	vld [tilespmem:s22+$0x10820]  }
0xad: {  	v4 =	vld [tilespmem:s22+$0x10830]  }
0xae: {  	[tilespmem:s22+$0x8F0] =	vst.add.f32.msk $0xffff, v0  }
0xaf: {  	v0 =	vld [tilespmem:s22+$0x10840]  }
0xb0: {  	v5 =	vld [tilespmem:s22+$0x10850]  }
0xb1: {  	v6 =	vld [tilespmem:s22+$0x10860]  }
0xb2: {  	v7 =	vld [tilespmem:s22+$0x10870]  }
0xb3: {  	v8 =	vld [tilespmem:s22+$0x10880]  }
0xb4: {  	v9 =	vld [tilespmem:s22+$0x10890]  }
0xb5: {  	v10 =	vld [tilespmem:s22+$0x108A0]  }
0xb6: {  	v11 =	vld [tilespmem:s22+$0x108B0]  }
0xb7: {  	v12 =	vld [tilespmem:s22+$0x108C0]  }
0xb8: {  	v13 =	vld [tilespmem:s22+$0x108D0]  }
0xb9: {  	v14 =	vld [tilespmem:s22+$0x108E0]  }
0xba: {  	[tilespmem:s22+$0x800] =	vst.add.f32.msk $0xffff, v1  }
0xbb: {  	[tilespmem:s22+$0x810] =	vst.add.f32.msk $0xffff, v2  }
0xbc: {  	[tilespmem:s22+$0x820] =	vst.add.f32.msk $0xffff, v3  }
0xbd: {  	[tilespmem:s22+$0x830] =	vst.add.f32.msk $0xffff, v4  }
0xbe: {  	[tilespmem:s22+$0x840] =	vst.add.f32.msk $0xffff, v0  }
0xbf: {  	[tilespmem:s22+$0x850] =	vst.add.f32.msk $0xffff, v5  }
0xc0: {  	[tilespmem:s22+$0x860] =	vst.add.f32.msk $0xffff, v6  }
0xc1: {  	[tilespmem:s22+$0x870] =	vst.add.f32.msk $0xffff, v7  }
0xc2: {  	[tilespmem:s22+$0x880] =	vst.add.f32.msk $0xffff, v8  }
0xc3: {  	[tilespmem:s22+$0x890] =	vst.add.f32.msk $0xffff, v9  }
.Ltmp1:
0xc4: {  	[tilespmem:s22+$0x8A0] =	vst.add.f32.msk $0xffff, v10;
	(pc) =	sbr.rel @p0 .LBB2_4-.Ltmp1, $4  }
0xc5: {  	[tilespmem:s22+$0x8B0] =	vst.add.f32.msk $0xffff, v11  }
0xc6: {  	[tilespmem:s22+$0x8C0] =	vst.add.f32.msk $0xffff, v12  }
0xc7: {  	[tilespmem:s22+$0x8D0] =	vst.add.f32.msk $0xffff, v13  }
0xc8: {  	[tilespmem:s22+$0x8E0] =	vst.add.f32.msk $0xffff, v14;
	s22 =	sshra.s32 s23, $0x2;
	s23 =	sadd.s32 $0x400, s23  }
0xc9: {  	v0 =	vld [tilespmem:s22+$0x108F0]  }
0xca: {  	v1 =	vld [tilespmem:s22+$0x10800]  }
0xcb: {  	v2 =	vld [tilespmem:s22+$0x10810]  }
0xcc: {  	v3 =	vld [tilespmem:s22+$0x10820]  }
0xcd: {  	v4 =	vld [tilespmem:s22+$0x10830]  }
0xce: {  	v63 =	vld [tilespmem:s22+$0x10840]  }
0xcf: {  	v5 =	vld [tilespmem:s22+$0x10850]  }
0xd0: {  	v6 =	vld [tilespmem:s22+$0x10860]  }
0xd1: {  	v7 =	vld [tilespmem:s22+$0x10870]  }
0xd2: {  	v8 =	vld [tilespmem:s22+$0x10880]  }
0xd3: {  	v9 =	vld [tilespmem:s22+$0x10890]  }
0xd4: {  	v10 =	vld [tilespmem:s22+$0x108A0]  }
0xd5: {  	v11 =	vld [tilespmem:s22+$0x108B0]  }
0xd6: {  	v12 =	vld [tilespmem:s22+$0x108C0]  }
0xd7: {  	v13 =	vld [tilespmem:s22+$0x108D0]  }
0xd8: {  	v14 =	vld [tilespmem:s22+$0x108E0]  }
0xd9: {  	[tilespmem:s22+$0x8F0] =	vst.add.f32.msk $0xffff, v0  }
0xda: {  	[tilespmem:s22+$0x800] =	vst.add.f32.msk $0xffff, v1  }
0xdb: {  	[tilespmem:s22+$0x810] =	vst.add.f32.msk $0xffff, v2  }
0xdc: {  	[tilespmem:s22+$0x820] =	vst.add.f32.msk $0xffff, v3  }
0xdd: {  	[tilespmem:s22+$0x830] =	vst.add.f32.msk $0xffff, v4  }
0xde: {  	[tilespmem:s22+$0x840] =	vst.add.f32.msk $0xffff, v63  }
0xdf: {  	[tilespmem:s22+$0x850] =	vst.add.f32.msk $0xffff, v5  }
0xe0: {  	[tilespmem:s22+$0x860] =	vst.add.f32.msk $0xffff, v6  }
0xe1: {  	[tilespmem:s22+$0x870] =	vst.add.f32.msk $0xffff, v7  }
0xe2: {  	[tilespmem:s22+$0x880] =	vst.add.f32.msk $0xffff, v8  }
0xe3: {  	[tilespmem:s22+$0x890] =	vst.add.f32.msk $0xffff, v9  }
0xe4: {  	[tilespmem:s22+$0x8A0] =	vst.add.f32.msk $0xffff, v10  }
0xe5: {  	[tilespmem:s22+$0x8B0] =	vst.add.f32.msk $0xffff, v11  }
0xe6: {  	[tilespmem:s22+$0x8C0] =	vst.add.f32.msk $0xffff, v12  }
0xe7: {  	[tilespmem:s22+$0x8D0] =	vst.add.f32.msk $0xffff, v13  }
0xe8: {  	[tilespmem:s22+$0x8E0] =	vst.add.f32.msk $0xffff, v14  }
0xe9: {  	_ =	swait.ge [sflag:s28], $0x2000  }
0xea: {  	[sflag:s28] =	ssyncset.done $0x0  }
0xeb: {  	[sflag:s28] =	ssyncadd.s32 $0xFFFFE000  }
0xec: {  	_ =	swait.ge [sflag:s28], $0x2000  }
0xed: {  	[sflag:s28] =	ssyncset.done $0x0  }
0xee: {  	[sflag:s28] =	ssyncadd.s32 $0xFFFFE000  }
0xef: {  	_ =	swait.ge [sflag:s28], $0x2000  }
0xf0: {  	[sflag:s28] =	ssyncset.done $0x0  }
0xf1: {  	[sflag:s28] =	ssyncadd.s32 $0xFFFFE000  }
0xf2: {  	_ =	swait.ge [sflag:s28], $0x2000  }
0xf3: {  	[sflag:s28] =	ssyncset.done $0x0  }
0xf4: {  	s23 =	simm.s32 $0x400;
	s22 =	simm.s32 $0x0;
	[sflag:s28] =	ssyncadd.s32 $0xFFFFE000  }
.LBB2_6:
0xf5: {  	p0 =	sne.s32 s23, $0x1FC00;
	v0 =	vld [tilespmem:s22+$0x88F0]  }
0xf6: {  	v1 =	vld [tilespmem:s22+$0x8800]  }
0xf7: {  	v2 =	vld [tilespmem:s22+$0x8810]  }
0xf8: {  	v3 =	vld [tilespmem:s22+$0x8820]  }
0xf9: {  	v4 =	vld [tilespmem:s22+$0x8830]  }
0xfa: {  	[tilespmem:s22+$0x8F0] =	vst.add.f32.msk $0xffff, v0  }
0xfb: {  	v0 =	vld [tilespmem:s22+$0x8840]  }
0xfc: {  	v5 =	vld [tilespmem:s22+$0x8850]  }
0xfd: {  	v6 =	vld [tilespmem:s22+$0x8860]  }
0xfe: {  	v7 =	vld [tilespmem:s22+$0x8870]  }
0xff: {  	v8 =	vld [tilespmem:s22+$0x8880]  }
0x100: {  	v9 =	vld [tilespmem:s22+$0x8890]  }
0x101: {  	v10 =	vld [tilespmem:s22+$0x88A0]  }
0x102: {  	v11 =	vld [tilespmem:s22+$0x88B0]  }
0x103: {  	v12 =	vld [tilespmem:s22+$0x88C0]  }
0x104: {  	v13 =	vld [tilespmem:s22+$0x88D0]  }
0x105: {  	v14 =	vld [tilespmem:s22+$0x88E0]  }
0x106: {  	[tilespmem:s22+$0x800] =	vst.add.f32.msk $0xffff, v1  }
0x107: {  	[tilespmem:s22+$0x810] =	vst.add.f32.msk $0xffff, v2  }
0x108: {  	[tilespmem:s22+$0x820] =	vst.add.f32.msk $0xffff, v3  }
0x109: {  	[tilespmem:s22+$0x830] =	vst.add.f32.msk $0xffff, v4  }
0x10a: {  	[tilespmem:s22+$0x840] =	vst.add.f32.msk $0xffff, v0  }
0x10b: {  	[tilespmem:s22+$0x850] =	vst.add.f32.msk $0xffff, v5  }
0x10c: {  	[tilespmem:s22+$0x860] =	vst.add.f32.msk $0xffff, v6  }
0x10d: {  	[tilespmem:s22+$0x870] =	vst.add.f32.msk $0xffff, v7  }
0x10e: {  	[tilespmem:s22+$0x880] =	vst.add.f32.msk $0xffff, v8  }
0x10f: {  	[tilespmem:s22+$0x890] =	vst.add.f32.msk $0xffff, v9  }
.Ltmp2:
0x110: {  	[tilespmem:s22+$0x8A0] =	vst.add.f32.msk $0xffff, v10;
	(pc) =	sbr.rel @p0 .LBB2_6-.Ltmp2, $4  }
0x111: {  	[tilespmem:s22+$0x8B0] =	vst.add.f32.msk $0xffff, v11  }
0x112: {  	[tilespmem:s22+$0x8C0] =	vst.add.f32.msk $0xffff, v12  }
0x113: {  	[tilespmem:s22+$0x8D0] =	vst.add.f32.msk $0xffff, v13  }
0x114: {  	[tilespmem:s22+$0x8E0] =	vst.add.f32.msk $0xffff, v14;
	s22 =	sshra.s32 s23, $0x2;
	s23 =	sadd.s32 $0x400, s23  }
0x115: {  	v0 =	vld [tilespmem:s22+$0x88F0]  }
0x116: {  	v1 =	vld [tilespmem:s22+$0x8800]  }
0x117: {  	v2 =	vld [tilespmem:s22+$0x8810]  }
0x118: {  	v3 =	vld [tilespmem:s22+$0x8820]  }
0x119: {  	v4 =	vld [tilespmem:s22+$0x8830]  }
0x11a: {  	v63 =	vld [tilespmem:s22+$0x8840]  }
0x11b: {  	v5 =	vld [tilespmem:s22+$0x8850]  }
0x11c: {  	v6 =	vld [tilespmem:s22+$0x8860]  }
0x11d: {  	v7 =	vld [tilespmem:s22+$0x8870]  }
0x11e: {  	v8 =	vld [tilespmem:s22+$0x8880]  }
0x11f: {  	v9 =	vld [tilespmem:s22+$0x8890]  }
0x120: {  	v10 =	vld [tilespmem:s22+$0x88A0]  }
0x121: {  	v11 =	vld [tilespmem:s22+$0x88B0]  }
0x122: {  	v12 =	vld [tilespmem:s22+$0x88C0]  }
0x123: {  	v13 =	vld [tilespmem:s22+$0x88D0]  }
0x124: {  	v14 =	vld [tilespmem:s22+$0x88E0]  }
0x125: {  	[tilespmem:s22+$0x8F0] =	vst.add.f32.msk $0xffff, v0  }
0x126: {  	[tilespmem:s22+$0x800] =	vst.add.f32.msk $0xffff, v1  }
0x127: {  	[tilespmem:s22+$0x810] =	vst.add.f32.msk $0xffff, v2  }
0x128: {  	[tilespmem:s22+$0x820] =	vst.add.f32.msk $0xffff, v3  }
0x129: {  	[tilespmem:s22+$0x830] =	vst.add.f32.msk $0xffff, v4  }
0x12a: {  	[tilespmem:s22+$0x840] =	vst.add.f32.msk $0xffff, v63  }
0x12b: {  	[tilespmem:s22+$0x850] =	vst.add.f32.msk $0xffff, v5  }
0x12c: {  	[tilespmem:s22+$0x860] =	vst.add.f32.msk $0xffff, v6  }
0x12d: {  	[tilespmem:s22+$0x870] =	vst.add.f32.msk $0xffff, v7  }
0x12e: {  	[tilespmem:s22+$0x880] =	vst.add.f32.msk $0xffff, v8  }
0x12f: {  	[tilespmem:s22+$0x890] =	vst.add.f32.msk $0xffff, v9  }
0x130: {  	[tilespmem:s22+$0x8A0] =	vst.add.f32.msk $0xffff, v10  }
0x131: {  	[tilespmem:s22+$0x8B0] =	vst.add.f32.msk $0xffff, v11  }
0x132: {  	s21 =	sadd.s32 $0x1, s21;
	[tilespmem:s22+$0x8C0] =	vst.add.f32.msk $0xffff, v12  }
0x133: {  	p0 =	sne.s32 s21, s12;
	[tilespmem:s22+$0x8D0] =	vst.add.f32.msk $0xffff, v13  }
.Ltmp3:
0x134: {  	[tilespmem:s22+$0x8E0] =	vst.add.f32.msk $0xffff, v14;
	(pc) =	sbr.rel @p0 .LBB2_1-.Ltmp3, $4  }
0x135: {  	[hbm4b:s11+s1] =	stream.linear.scatter [tilespmem:s18], [sflag:$0x4], $0x8000, $0x38;
	[tilespmem:$0x18800] =	vst v63  }
0x136: {  	_ =	swait.ge [sflag:s20], $0x8000  }
0x137: {  	[sflag:s20] =	ssyncset.done $0x0  }
0x138: {  	[sflag:s20] =	ssyncadd.s32 $0xFFFF8000  }
0x139: {  	_ =	sfence.sel $0x180000  }
0x13a: {  	[bflag:$0x0] =	sbarrier.arrive $0xFFFF  }
0x13b: {  	_ =	strace $0x90000047  }
0x13c: {  	s0 =	stileid.u32;
	[bflag:$0x2] =	sbarrier.arrive $0xFFFF  }
0x13d: {  	p0 =	sne.s32 s0, $0x0;
	s0 =	rddreg [dreg:$0x6]  }
0x13e: {  	s0 =	sadd.s32 @!p0 $0x100000, s0  }
0x13f: {  	[sflag:s0] =	ssyncadd.tile.s32 @!p0 $0x1;
	_ =	shalt  }
.Lfunc_end2:
_tile_overlayer_lowered:
.L_overlay_start_2:
0x140: {  	(tag) =	ssettag $0x2  }
0x141: {  	s0 =	rddreg [dreg:$0x0];
	s2 =	stileid.u32  }
0x142: {  	s1 =	rddreg [dreg:$0x1];
	p0 =	sne.s32 s2, $0x0  }
0x143: {  	s3 =	rddreg [dreg:$0x2];
	[bflag:$0x3] =	sbarrier.arrive $0xFFFF;
	s2 =	simm.s32 @!p0 $0x1C04  }
0x144: {  	[timem:s3], [sflag:s2] =	dma.local @!p0 [hbm:s0], s1  }
0x145: {  	s0 =	simm.s32 @!p0 $0x4  }
0x146: {  	_ =	swait.ge @!p0 [sflag:s0], s1  }
0x147: {  	s1 =	ssub.s32 @!p0 $0x0, s1;
	[sflag:s0] =	ssyncset.done @!p0 $0x0  }
0x148: {  	[sflag:s0] =	ssyncadd.s32 @!p0 s1  }
0x149: {  	[bflag:$0x3] =	sbarrier.arrive $0xFFFF  }
0x14a: {  	_ =	shalt  }

</sc_bundles>
